<compile_context>
chip_gen: v7x
topology: tpu7x:2x2x1
jax: 0.10.2.dev20260603
libtpu: 0.0.44.dev20260713+nightly
codegen_flags: <defaults>
</compile_context>

<pallas_src>
import functools

import jax
import jax.numpy as jnp
from jax import lax
from jax.experimental import pallas as pl
from jax.experimental.pallas import tpu as pltpu
from jax.experimental.pallas import tpu_sc as plsc

D_MODEL = 2048
NUM_CORES = 2
NUM_SUBCORES = 16
NW = NUM_CORES * NUM_SUBCORES

B_TOTAL = 4 * 8192
B_PER_W = B_TOTAL // NW
CHUNK = 8
NCHUNK = B_PER_W // CHUNK
NBUF = 6
G = 4
NMAIN = NCHUNK // NBUF * NBUF


@functools.cache
def _make_gather_rows():
    mesh = plsc.VectorSubcoreMesh(core_axis_name="c", subcore_axis_name="s")

    @functools.partial(
        pl.kernel,
        mesh=mesh,
        out_type=jax.ShapeDtypeStruct((B_TOTAL, D_MODEL), jnp.float32),
        scratch_types=[
            pltpu.VMEM((B_PER_W,), jnp.int32),
            [pltpu.VMEM((CHUNK, D_MODEL), jnp.float32) for _ in range(NBUF)],
            [pltpu.SemaphoreType.DMA for _ in range(NBUF)],
            [pltpu.SemaphoreType.DMA for _ in range(NBUF)],
        ],
    )
    def _gather_rows(idx_hbm, table_hbm, out_hbm, idx_v, rows_v, gsem, osem):
        wid = lax.axis_index("s") * NUM_CORES + lax.axis_index("c")
        base = wid * B_PER_W
        pltpu.sync_copy(idx_hbm.at[pl.ds(base, B_PER_W)], idx_v)

        def gather_copy(c, b):
            return pltpu.make_async_copy(
                table_hbm.at[idx_v.at[pl.ds(c * CHUNK, CHUNK)]],
                rows_v[b],
                gsem[b],
            )

        def out_copy(c, b):
            return pltpu.make_async_copy(
                rows_v[b],
                out_hbm.at[pl.ds(base + c * CHUNK, CHUNK)],
                osem[b],
            )

        for b in range(G):
            gather_copy(b, b).start()

        def outer(c0):
            for b in range(NBUF):
                c = c0 + b
                gather_copy(c, b).wait()
                out_copy(c, b).start()

                @pl.when(c + G < NCHUNK)
                def _():
                    @pl.when(c >= NBUF - G)
                    def _():
                        out_copy(c - (NBUF - G), (b + G) % NBUF).wait()

                    gather_copy(c + G, (b + G) % NBUF).start()

        pl.loop(0, NMAIN, step=NBUF)(outer)

        for c in range(NMAIN, NCHUNK):
            gather_copy(c, c % NBUF).wait()
            out_copy(c, c % NBUF).start()
        for c in range(NCHUNK - NBUF, NCHUNK):
            out_copy(c, c % NBUF).wait()

    return _gather_rows


def kernel(position_ids, wpe):
    idx = position_ids.reshape(-1).astype(jnp.int32)
    out = _make_gather_rows()(idx, wpe)
    return out.reshape(position_ids.shape + (wpe.shape[-1],))

# --- scband reference (transcript-rebuilt; emitter-appended) ---
"""Pipeline reference for scband-gptposition-embedding-43198781063588 (READ-ONLY COPY).

The authoritative reference and input builder live on the scoring server;
editing this copy changes nothing except your own understanding.
"""

import jax, jax.numpy as jnp
import numpy as np

MAX_POS = 8192
D_MODEL = 2048
BATCH = 4
SEQ = 8192

def setup_inputs(seed: int = 0) -> dict:
    key = jax.random.key(seed)
    k_idx, k_w = jax.random.split(key)
    position_ids = jax.random.randint(k_idx, (BATCH, SEQ), 0, MAX_POS, dtype=jnp.int64 if jax.config.jax_enable_x64 else jnp.int32)
    wpe = jax.random.normal(k_w, (MAX_POS, D_MODEL), dtype=jnp.float32) * 0.02
    return {"position_ids": position_ids, "wpe": wpe}

def reference(position_ids, wpe):
    # GPT position embedding lookup: out[b, s, :] = wpe[position_ids[b, s], :]
    return jnp.take(wpe, position_ids, axis=0)

if __name__ == "__main__":
    import jax
    _d = setup_inputs()
    print(jax.jit(kernel)(*tuple(_d.values())))

</pallas_src>

<mosaic_0001>
#map = affine_map<(d0, d1) -> (0)>
#map1 = affine_map<(d0, d1) -> (0, 0)>
module attributes {stable_mosaic.version = 14 : i64} {
  func.func @_gather_rows(%arg0: i32, %arg1: i32, %arg2: memref<32768xi32, #tpu.memory_space<hbm>>, %arg3: memref<8192x2048xf32, #tpu.memory_space<hbm>>, %arg4: memref<32768x2048xf32, #tpu.memory_space<hbm>>, %arg5: memref<1024xi32, #tpu.memory_space<vmem>>, %arg6: memref<8x2048xf32, #tpu.memory_space<vmem>>, %arg7: memref<8x2048xf32, #tpu.memory_space<vmem>>, %arg8: memref<8x2048xf32, #tpu.memory_space<vmem>>, %arg9: memref<8x2048xf32, #tpu.memory_space<vmem>>, %arg10: memref<8x2048xf32, #tpu.memory_space<vmem>>, %arg11: memref<8x2048xf32, #tpu.memory_space<vmem>>, %arg12: memref<!tpu.dma_semaphore, #tpu.memory_space<semaphore_mem>>, %arg13: memref<!tpu.dma_semaphore, #tpu.memory_space<semaphore_mem>>, %arg14: memref<!tpu.dma_semaphore, #tpu.memory_space<semaphore_mem>>, %arg15: memref<!tpu.dma_semaphore, #tpu.memory_space<semaphore_mem>>, %arg16: memref<!tpu.dma_semaphore, #tpu.memory_space<semaphore_mem>>, %arg17: memref<!tpu.dma_semaphore, #tpu.memory_space<semaphore_mem>>, %arg18: memref<!tpu.dma_semaphore, #tpu.memory_space<semaphore_mem>>, %arg19: memref<!tpu.dma_semaphore, #tpu.memory_space<semaphore_mem>>, %arg20: memref<!tpu.dma_semaphore, #tpu.memory_space<semaphore_mem>>, %arg21: memref<!tpu.dma_semaphore, #tpu.memory_space<semaphore_mem>>, %arg22: memref<!tpu.dma_semaphore, #tpu.memory_space<semaphore_mem>>, %arg23: memref<!tpu.dma_semaphore, #tpu.memory_space<semaphore_mem>>) attributes {dimension_semantics = [#tpu.dimension_semantics<core_parallel>, #tpu.dimension_semantics<subcore_parallel>], iteration_bounds = array<i64: 2, 16>, scalar_prefetch = 0 : i64, scratch_operands = 19 : i64, tpu.core_type = #tpu.core_type<sc_vector_subcore>, window_params = [{transform_indices = #map}, {transform_indices = #map1}, {transform_indices = #map1}]} {
    %mul3A = arith.constant 2 : i32
    %mul3A_0 = arith.muli %arg1, %mul3A : i32
    %add3A = arith.addi %mul3A_0, %arg0 : i32
    %mul3A_1 = arith.constant 1024 : i32
    %mul3A_2 = arith.muli %add3A, %mul3A_1 : i32
    "tpu.region"() ({
      %run_scoped3A = tpu.sem_alloc : memref<!tpu.dma_semaphore, #tpu.memory_space<semaphore_mem>>
      %dma_start3A_83 = tpu.memref_slice %arg2[%mul3A_2] : memref<32768xi32, #tpu.memory_space<hbm>> -> memref<1024xi32, #tpu.memory_space<hbm>>
      %dma_start3A_84 = tpu.memref_slice %arg2[%mul3A_2] : memref<32768xi32, #tpu.memory_space<hbm>> -> memref<1024xi32, #tpu.memory_space<hbm>>
      tpu.enqueue_dma source(%dma_start3A_84 : memref<1024xi32, #tpu.memory_space<hbm>>) target(%arg5 : memref<1024xi32, #tpu.memory_space<vmem>>) target_semaphore(%run_scoped3A : memref<!tpu.dma_semaphore, #tpu.memory_space<semaphore_mem>>)
      %dma_wait3A_85 = tpu.memref_slice %arg2[%mul3A_2] : memref<32768xi32, #tpu.memory_space<hbm>> -> memref<1024xi32, #tpu.memory_space<hbm>>
      %dma_wait3A_86 = tpu.memref_slice %arg2[%mul3A_2] : memref<32768xi32, #tpu.memory_space<hbm>> -> memref<1024xi32, #tpu.memory_space<hbm>>
      tpu.wait_dma2 semaphore(%run_scoped3A : memref<!tpu.dma_semaphore, #tpu.memory_space<semaphore_mem>>) src(%dma_wait3A_86 : memref<1024xi32, #tpu.memory_space<hbm>>) dst(%arg5 : memref<1024xi32, #tpu.memory_space<vmem>>)
      tpu.yield
    }) : () -> ()
    %dma_start3A = arith.constant 0 : i32
    %dma_start3A_3 = tpu.memref_slice %arg5[%dma_start3A] : memref<1024xi32, #tpu.memory_space<vmem>> -> memref<8xi32, #tpu.memory_space<vmem>>
    %dma_start3A_4 = arith.constant 0 : i32
    %dma_start3A_5 = arith.constant 0 : i32
    %dma_start3A_6 = tpu.memref_slice %arg3[%dma_start3A_4, %dma_start3A_5] : memref<8192x2048xf32, #tpu.memory_space<hbm>> -> memref<8192x2048xf32, #tpu.memory_space<hbm>>
    tpu.enqueue_indirect_dma source(%dma_start3A_6 : memref<8192x2048xf32, #tpu.memory_space<hbm>>) target(%arg6 : memref<8x2048xf32, #tpu.memory_space<vmem>>) offsets(%dma_start3A_3 : memref<8xi32, #tpu.memory_space<vmem>>) semaphore(%arg12 : memref<!tpu.dma_semaphore, #tpu.memory_space<semaphore_mem>>)
    %dma_start3A_7 = arith.constant 8 : i32
    %dma_start3A_8 = tpu.memref_slice %arg5[%dma_start3A_7] : memref<1024xi32, #tpu.memory_space<vmem>> -> memref<8xi32, #tpu.memory_space<vmem>>
    %dma_start3A_9 = arith.constant 0 : i32
    %dma_start3A_10 = arith.constant 0 : i32
    %dma_start3A_11 = tpu.memref_slice %arg3[%dma_start3A_9, %dma_start3A_10] : memref<8192x2048xf32, #tpu.memory_space<hbm>> -> memref<8192x2048xf32, #tpu.memory_space<hbm>>
    tpu.enqueue_indirect_dma source(%dma_start3A_11 : memref<8192x2048xf32, #tpu.memory_space<hbm>>) target(%arg7 : memref<8x2048xf32, #tpu.memory_space<vmem>>) offsets(%dma_start3A_8 : memref<8xi32, #tpu.memory_space<vmem>>) semaphore(%arg13 : memref<!tpu.dma_semaphore, #tpu.memory_space<semaphore_mem>>)
    %dma_start3A_12 = arith.constant 16 : i32
    %dma_start3A_13 = tpu.memref_slice %arg5[%dma_start3A_12] : memref<1024xi32, #tpu.memory_space<vmem>> -> memref<8xi32, #tpu.memory_space<vmem>>
    %dma_start3A_14 = arith.constant 0 : i32
    %dma_start3A_15 = arith.constant 0 : i32
    %dma_start3A_16 = tpu.memref_slice %arg3[%dma_start3A_14, %dma_start3A_15] : memref<8192x2048xf32, #tpu.memory_space<hbm>> -> memref<8192x2048xf32, #tpu.memory_space<hbm>>
    tpu.enqueue_indirect_dma source(%dma_start3A_16 : memref<8192x2048xf32, #tpu.memory_space<hbm>>) target(%arg8 : memref<8x2048xf32, #tpu.memory_space<vmem>>) offsets(%dma_start3A_13 : memref<8xi32, #tpu.memory_space<vmem>>) semaphore(%arg14 : memref<!tpu.dma_semaphore, #tpu.memory_space<semaphore_mem>>)
    %dma_start3A_17 = arith.constant 24 : i32
    %dma_start3A_18 = tpu.memref_slice %arg5[%dma_start3A_17] : memref<1024xi32, #tpu.memory_space<vmem>> -> memref<8xi32, #tpu.memory_space<vmem>>
    %dma_start3A_19 = arith.constant 0 : i32
    %dma_start3A_20 = arith.constant 0 : i32
    %dma_start3A_21 = tpu.memref_slice %arg3[%dma_start3A_19, %dma_start3A_20] : memref<8192x2048xf32, #tpu.memory_space<hbm>> -> memref<8192x2048xf32, #tpu.memory_space<hbm>>
    tpu.enqueue_indirect_dma source(%dma_start3A_21 : memref<8192x2048xf32, #tpu.memory_space<hbm>>) target(%arg9 : memref<8x2048xf32, #tpu.memory_space<vmem>>) offsets(%dma_start3A_18 : memref<8xi32, #tpu.memory_space<vmem>>) semaphore(%arg15 : memref<!tpu.dma_semaphore, #tpu.memory_space<semaphore_mem>>)
    %scan3A = arith.constant 0 : i32
    %scan3A_22 = arith.constant 21 : i32
    %scan3A_23 = arith.addi %scan3A, %scan3A_22 : i32
    %scan3A_24 = arith.constant 1 : i32
    scf.for %scan3A_83 = %scan3A to %scan3A_23 step %scan3A_24  : i32 {
      %mul3A_84 = arith.constant 6 : i32
      %mul3A_85 = arith.muli %scan3A_83, %mul3A_84 : i32
      %add3A_86 = arith.constant 0 : i32
      %add3A_87 = arith.addi %add3A_86, %mul3A_85 : i32
      %add3A_88 = arith.constant 0 : i32
      %add3A_89 = arith.addi %add3A_87, %add3A_88 : i32
      %mul3A_90 = arith.constant 8 : i32
      %mul3A_91 = arith.muli %add3A_89, %mul3A_90 : i32
      %dma_wait3A_92 = tpu.memref_slice %arg5[%mul3A_91] : memref<1024xi32, #tpu.memory_space<vmem>> -> memref<8xi32, #tpu.memory_space<vmem>>
      %dma_wait3A_93 = arith.constant 0 : i32
      %dma_wait3A_94 = arith.constant 0 : i32
      %dma_wait3A_95 = tpu.memref_slice %arg3[%dma_wait3A_93, %dma_wait3A_94] : memref<8192x2048xf32, #tpu.memory_space<hbm>> -> memref<8192x2048xf32, #tpu.memory_space<hbm>>
      tpu.wait_indirect_dma semaphore(%arg12 : memref<!tpu.dma_semaphore, #tpu.memory_space<semaphore_mem>>) src(%dma_wait3A_95 : memref<8192x2048xf32, #tpu.memory_space<hbm>>) dst(%arg6 : memref<8x2048xf32, #tpu.memory_space<vmem>>)
      %mul3A_96 = arith.constant 8 : i32
      %mul3A_97 = arith.muli %add3A_89, %mul3A_96 : i32
      %add3A_98 = arith.addi %mul3A_2, %mul3A_97 : i32
      %dma_start3A_99 = arith.constant 0 : i32
      %dma_start3A_100 = tpu.memref_slice %arg4[%add3A_98, %dma_start3A_99] : memref<32768x2048xf32, #tpu.memory_space<hbm>> -> memref<8x2048xf32, #tpu.memory_space<hbm>>
      %dma_start3A_101 = arith.constant 0 : i32
      %dma_start3A_102 = tpu.memref_slice %arg4[%add3A_98, %dma_start3A_101] : memref<32768x2048xf32, #tpu.memory_space<hbm>> -> memref<8x2048xf32, #tpu.memory_space<hbm>>
      tpu.enqueue_dma source(%arg6 : memref<8x2048xf32, #tpu.memory_space<vmem>>) target(%dma_start3A_102 : memref<8x2048xf32, #tpu.memory_space<hbm>>) target_semaphore(%arg18 : memref<!tpu.dma_semaphore, #tpu.memory_space<semaphore_mem>>)
      %add3A_103 = arith.constant 4 : i32
      %add3A_104 = arith.addi %add3A_89, %add3A_103 : i32
      %lt3A = arith.constant 128 : i32
      %lt3A_105 = arith.cmpi slt, %add3A_104, %lt3A : i32
      %convert_element_type3A = arith.extui %lt3A_105 : i1 to i32
      %cond3A = arith.constant 0 : i32
      %cond3A_106 = arith.cmpi ne, %convert_element_type3A, %cond3A : i32
      scf.if %cond3A_106 {
        %ge3A = arith.constant 2 : i32
        %ge3A_217 = arith.cmpi sge, %add3A_89, %ge3A : i32
        %convert_element_type3A_218 = arith.extui %ge3A_217 : i1 to i32
        %cond3A_219 = arith.constant 0 : i32
        %cond3A_220 = arith.cmpi ne, %convert_element_type3A_218, %cond3A_219 : i32
        scf.if %cond3A_220 {
          %sub3A = arith.constant 2 : i32
          %sub3A_229 = arith.subi %add3A_89, %sub3A : i32
          %mul3A_230 = arith.constant 8 : i32
          %mul3A_231 = arith.muli %sub3A_229, %mul3A_230 : i32
          %add3A_232 = arith.addi %mul3A_2, %mul3A_231 : i32
          %dma_wait3A_233 = arith.constant 0 : i32
          %dma_wait3A_234 = tpu.memref_slice %arg4[%add3A_232, %dma_wait3A_233] : memref<32768x2048xf32, #tpu.memory_space<hbm>> -> memref<8x2048xf32, #tpu.memory_space<hbm>>
          %dma_wait3A_235 = arith.constant 0 : i32
          %dma_wait3A_236 = tpu.memref_slice %arg4[%add3A_232, %dma_wait3A_235] : memref<32768x2048xf32, #tpu.memory_space<hbm>> -> memref<8x2048xf32, #tpu.memory_space<hbm>>
          tpu.wait_dma2 semaphore(%arg22 : memref<!tpu.dma_semaphore, #tpu.memory_space<semaphore_mem>>) src(%arg10 : memref<8x2048xf32, #tpu.memory_space<vmem>>) dst(%dma_wait3A_236 : memref<8x2048xf32, #tpu.memory_space<hbm>>)
        } else {
        }
        %add3A_221 = arith.constant 4 : i32
        %add3A_222 = arith.addi %add3A_89, %add3A_221 : i32
        %mul3A_223 = arith.constant 8 : i32
        %mul3A_224 = arith.muli %add3A_222, %mul3A_223 : i32
        %dma_start3A_225 = tpu.memref_slice %arg5[%mul3A_224] : memref<1024xi32, #tpu.memory_space<vmem>> -> memref<8xi32, #tpu.memory_space<vmem>>
        %dma_start3A_226 = arith.constant 0 : i32
        %dma_start3A_227 = arith.constant 0 : i32
        %dma_start3A_228 = tpu.memref_slice %arg3[%dma_start3A_226, %dma_start3A_227] : memref<8192x2048xf32, #tpu.memory_space<hbm>> -> memref<8192x2048xf32, #tpu.memory_space<hbm>>
        tpu.enqueue_indirect_dma source(%dma_start3A_228 : memref<8192x2048xf32, #tpu.memory_space<hbm>>) target(%arg10 : memref<8x2048xf32, #tpu.memory_space<vmem>>) offsets(%dma_start3A_225 : memref<8xi32, #tpu.memory_space<vmem>>) semaphore(%arg16 : memref<!tpu.dma_semaphore, #tpu.memory_space<semaphore_mem>>)
      } else {
      }
      %add3A_107 = arith.constant 1 : i32
      %add3A_108 = arith.addi %add3A_87, %add3A_107 : i32
      %mul3A_109 = arith.constant 8 : i32
      %mul3A_110 = arith.muli %add3A_108, %mul3A_109 : i32
      %dma_wait3A_111 = tpu.memref_slice %arg5[%mul3A_110] : memref<1024xi32, #tpu.memory_space<vmem>> -> memref<8xi32, #tpu.memory_space<vmem>>
      %dma_wait3A_112 = arith.constant 0 : i32
      %dma_wait3A_113 = arith.constant 0 : i32
      %dma_wait3A_114 = tpu.memref_slice %arg3[%dma_wait3A_112, %dma_wait3A_113] : memref<8192x2048xf32, #tpu.memory_space<hbm>> -> memref<8192x2048xf32, #tpu.memory_space<hbm>>
      tpu.wait_indirect_dma semaphore(%arg13 : memref<!tpu.dma_semaphore, #tpu.memory_space<semaphore_mem>>) src(%dma_wait3A_114 : memref<8192x2048xf32, #tpu.memory_space<hbm>>) dst(%arg7 : memref<8x2048xf32, #tpu.memory_space<vmem>>)
      %mul3A_115 = arith.constant 8 : i32
      %mul3A_116 = arith.muli %add3A_108, %mul3A_115 : i32
      %add3A_117 = arith.addi %mul3A_2, %mul3A_116 : i32
      %dma_start3A_118 = arith.constant 0 : i32
      %dma_start3A_119 = tpu.memref_slice %arg4[%add3A_117, %dma_start3A_118] : memref<32768x2048xf32, #tpu.memory_space<hbm>> -> memref<8x2048xf32, #tpu.memory_space<hbm>>
      %dma_start3A_120 = arith.constant 0 : i32
      %dma_start3A_121 = tpu.memref_slice %arg4[%add3A_117, %dma_start3A_120] : memref<32768x2048xf32, #tpu.memory_space<hbm>> -> memref<8x2048xf32, #tpu.memory_space<hbm>>
      tpu.enqueue_dma source(%arg7 : memref<8x2048xf32, #tpu.memory_space<vmem>>) target(%dma_start3A_121 : memref<8x2048xf32, #tpu.memory_space<hbm>>) target_semaphore(%arg19 : memref<!tpu.dma_semaphore, #tpu.memory_space<semaphore_mem>>)
      %add3A_122 = arith.constant 4 : i32
      %add3A_123 = arith.addi %add3A_108, %add3A_122 : i32
      %lt3A_124 = arith.constant 128 : i32
      %lt3A_125 = arith.cmpi slt, %add3A_123, %lt3A_124 : i32
      %convert_element_type3A_126 = arith.extui %lt3A_125 : i1 to i32
      %cond3A_127 = arith.constant 0 : i32
      %cond3A_128 = arith.cmpi ne, %convert_element_type3A_126, %cond3A_127 : i32
      scf.if %cond3A_128 {
        %ge3A = arith.constant 2 : i32
        %ge3A_217 = arith.cmpi sge, %add3A_108, %ge3A : i32
        %convert_element_type3A_218 = arith.extui %ge3A_217 : i1 to i32
        %cond3A_219 = arith.constant 0 : i32
        %cond3A_220 = arith.cmpi ne, %convert_element_type3A_218, %cond3A_219 : i32
        scf.if %cond3A_220 {
          %sub3A = arith.constant 2 : i32
          %sub3A_229 = arith.subi %add3A_108, %sub3A : i32
          %mul3A_230 = arith.constant 8 : i32
          %mul3A_231 = arith.muli %sub3A_229, %mul3A_230 : i32
          %add3A_232 = arith.addi %mul3A_2, %mul3A_231 : i32
          %dma_wait3A_233 = arith.constant 0 : i32
          %dma_wait3A_234 = tpu.memref_slice %arg4[%add3A_232, %dma_wait3A_233] : memref<32768x2048xf32, #tpu.memory_space<hbm>> -> memref<8x2048xf32, #tpu.memory_space<hbm>>
          %dma_wait3A_235 = arith.constant 0 : i32
          %dma_wait3A_236 = tpu.memref_slice %arg4[%add3A_232, %dma_wait3A_235] : memref<32768x2048xf32, #tpu.memory_space<hbm>> -> memref<8x2048xf32, #tpu.memory_space<hbm>>
          tpu.wait_dma2 semaphore(%arg23 : memref<!tpu.dma_semaphore, #tpu.memory_space<semaphore_mem>>) src(%arg11 : memref<8x2048xf32, #tpu.memory_space<vmem>>) dst(%dma_wait3A_236 : memref<8x2048xf32, #tpu.memory_space<hbm>>)
        } else {
        }
        %add3A_221 = arith.constant 4 : i32
        %add3A_222 = arith.addi %add3A_108, %add3A_221 : i32
        %mul3A_223 = arith.constant 8 : i32
        %mul3A_224 = arith.muli %add3A_222, %mul3A_223 : i32
        %dma_start3A_225 = tpu.memref_slice %arg5[%mul3A_224] : memref<1024xi32, #tpu.memory_space<vmem>> -> memref<8xi32, #tpu.memory_space<vmem>>
        %dma_start3A_226 = arith.constant 0 : i32
        %dma_start3A_227 = arith.constant 0 : i32
        %dma_start3A_228 = tpu.memref_slice %arg3[%dma_start3A_226, %dma_start3A_227] : memref<8192x2048xf32, #tpu.memory_space<hbm>> -> memref<8192x2048xf32, #tpu.memory_space<hbm>>
        tpu.enqueue_indirect_dma source(%dma_start3A_228 : memref<8192x2048xf32, #tpu.memory_space<hbm>>) target(%arg11 : memref<8x2048xf32, #tpu.memory_space<vmem>>) offsets(%dma_start3A_225 : memref<8xi32, #tpu.memory_space<vmem>>) semaphore(%arg17 : memref<!tpu.dma_semaphore, #tpu.memory_space<semaphore_mem>>)
      } else {
      }
      %add3A_129 = arith.constant 2 : i32
      %add3A_130 = arith.addi %add3A_87, %add3A_129 : i32
      %mul3A_131 = arith.constant 8 : i32
      %mul3A_132 = arith.muli %add3A_130, %mul3A_131 : i32
      %dma_wait3A_133 = tpu.memref_slice %arg5[%mul3A_132] : memref<1024xi32, #tpu.memory_space<vmem>> -> memref<8xi32, #tpu.memory_space<vmem>>
      %dma_wait3A_134 = arith.constant 0 : i32
      %dma_wait3A_135 = arith.constant 0 : i32
      %dma_wait3A_136 = tpu.memref_slice %arg3[%dma_wait3A_134, %dma_wait3A_135] : memref<8192x2048xf32, #tpu.memory_space<hbm>> -> memref<8192x2048xf32, #tpu.memory_space<hbm>>
      tpu.wait_indirect_dma semaphore(%arg14 : memref<!tpu.dma_semaphore, #tpu.memory_space<semaphore_mem>>) src(%dma_wait3A_136 : memref<8192x2048xf32, #tpu.memory_space<hbm>>) dst(%arg8 : memref<8x2048xf32, #tpu.memory_space<vmem>>)
      %mul3A_137 = arith.constant 8 : i32
      %mul3A_138 = arith.muli %add3A_130, %mul3A_137 : i32
      %add3A_139 = arith.addi %mul3A_2, %mul3A_138 : i32
      %dma_start3A_140 = arith.constant 0 : i32
      %dma_start3A_141 = tpu.memref_slice %arg4[%add3A_139, %dma_start3A_140] : memref<32768x2048xf32, #tpu.memory_space<hbm>> -> memref<8x2048xf32, #tpu.memory_space<hbm>>
      %dma_start3A_142 = arith.constant 0 : i32
      %dma_start3A_143 = tpu.memref_slice %arg4[%add3A_139, %dma_start3A_142] : memref<32768x2048xf32, #tpu.memory_space<hbm>> -> memref<8x2048xf32, #tpu.memory_space<hbm>>
      tpu.enqueue_dma source(%arg8 : memref<8x2048xf32, #tpu.memory_space<vmem>>) target(%dma_start3A_143 : memref<8x2048xf32, #tpu.memory_space<hbm>>) target_semaphore(%arg20 : memref<!tpu.dma_semaphore, #tpu.memory_space<semaphore_mem>>)
      %add3A_144 = arith.constant 4 : i32
      %add3A_145 = arith.addi %add3A_130, %add3A_144 : i32
      %lt3A_146 = arith.constant 128 : i32
      %lt3A_147 = arith.cmpi slt, %add3A_145, %lt3A_146 : i32
      %convert_element_type3A_148 = arith.extui %lt3A_147 : i1 to i32
      %cond3A_149 = arith.constant 0 : i32
      %cond3A_150 = arith.cmpi ne, %convert_element_type3A_148, %cond3A_149 : i32
      scf.if %cond3A_150 {
        %ge3A = arith.constant 2 : i32
        %ge3A_217 = arith.cmpi sge, %add3A_130, %ge3A : i32
        %convert_element_type3A_218 = arith.extui %ge3A_217 : i1 to i32
        %cond3A_219 = arith.constant 0 : i32
        %cond3A_220 = arith.cmpi ne, %convert_element_type3A_218, %cond3A_219 : i32
        scf.if %cond3A_220 {
          %sub3A = arith.constant 2 : i32
          %sub3A_229 = arith.subi %add3A_130, %sub3A : i32
          %mul3A_230 = arith.constant 8 : i32
          %mul3A_231 = arith.muli %sub3A_229, %mul3A_230 : i32
          %add3A_232 = arith.addi %mul3A_2, %mul3A_231 : i32
          %dma_wait3A_233 = arith.constant 0 : i32
          %dma_wait3A_234 = tpu.memref_slice %arg4[%add3A_232, %dma_wait3A_233] : memref<32768x2048xf32, #tpu.memory_space<hbm>> -> memref<8x2048xf32, #tpu.memory_space<hbm>>
          %dma_wait3A_235 = arith.constant 0 : i32
          %dma_wait3A_236 = tpu.memref_slice %arg4[%add3A_232, %dma_wait3A_235] : memref<32768x2048xf32, #tpu.memory_space<hbm>> -> memref<8x2048xf32, #tpu.memory_space<hbm>>
          tpu.wait_dma2 semaphore(%arg18 : memref<!tpu.dma_semaphore, #tpu.memory_space<semaphore_mem>>) src(%arg6 : memref<8x2048xf32, #tpu.memory_space<vmem>>) dst(%dma_wait3A_236 : memref<8x2048xf32, #tpu.memory_space<hbm>>)
        } else {
        }
        %add3A_221 = arith.constant 4 : i32
        %add3A_222 = arith.addi %add3A_130, %add3A_221 : i32
        %mul3A_223 = arith.constant 8 : i32
        %mul3A_224 = arith.muli %add3A_222, %mul3A_223 : i32
        %dma_start3A_225 = tpu.memref_slice %arg5[%mul3A_224] : memref<1024xi32, #tpu.memory_space<vmem>> -> memref<8xi32, #tpu.memory_space<vmem>>
        %dma_start3A_226 = arith.constant 0 : i32
        %dma_start3A_227 = arith.constant 0 : i32
        %dma_start3A_228 = tpu.memref_slice %arg3[%dma_start3A_226, %dma_start3A_227] : memref<8192x2048xf32, #tpu.memory_space<hbm>> -> memref<8192x2048xf32, #tpu.memory_space<hbm>>
        tpu.enqueue_indirect_dma source(%dma_start3A_228 : memref<8192x2048xf32, #tpu.memory_space<hbm>>) target(%arg6 : memref<8x2048xf32, #tpu.memory_space<vmem>>) offsets(%dma_start3A_225 : memref<8xi32, #tpu.memory_space<vmem>>) semaphore(%arg12 : memref<!tpu.dma_semaphore, #tpu.memory_space<semaphore_mem>>)
      } else {
      }
      %add3A_151 = arith.constant 3 : i32
      %add3A_152 = arith.addi %add3A_87, %add3A_151 : i32
      %mul3A_153 = arith.constant 8 : i32
      %mul3A_154 = arith.muli %add3A_152, %mul3A_153 : i32
      %dma_wait3A_155 = tpu.memref_slice %arg5[%mul3A_154] : memref<1024xi32, #tpu.memory_space<vmem>> -> memref<8xi32, #tpu.memory_space<vmem>>
      %dma_wait3A_156 = arith.constant 0 : i32
      %dma_wait3A_157 = arith.constant 0 : i32
      %dma_wait3A_158 = tpu.memref_slice %arg3[%dma_wait3A_156, %dma_wait3A_157] : memref<8192x2048xf32, #tpu.memory_space<hbm>> -> memref<8192x2048xf32, #tpu.memory_space<hbm>>
      tpu.wait_indirect_dma semaphore(%arg15 : memref<!tpu.dma_semaphore, #tpu.memory_space<semaphore_mem>>) src(%dma_wait3A_158 : memref<8192x2048xf32, #tpu.memory_space<hbm>>) dst(%arg9 : memref<8x2048xf32, #tpu.memory_space<vmem>>)
      %mul3A_159 = arith.constant 8 : i32
      %mul3A_160 = arith.muli %add3A_152, %mul3A_159 : i32
      %add3A_161 = arith.addi %mul3A_2, %mul3A_160 : i32
      %dma_start3A_162 = arith.constant 0 : i32
      %dma_start3A_163 = tpu.memref_slice %arg4[%add3A_161, %dma_start3A_162] : memref<32768x2048xf32, #tpu.memory_space<hbm>> -> memref<8x2048xf32, #tpu.memory_space<hbm>>
      %dma_start3A_164 = arith.constant 0 : i32
      %dma_start3A_165 = tpu.memref_slice %arg4[%add3A_161, %dma_start3A_164] : memref<32768x2048xf32, #tpu.memory_space<hbm>> -> memref<8x2048xf32, #tpu.memory_space<hbm>>
      tpu.enqueue_dma source(%arg9 : memref<8x2048xf32, #tpu.memory_space<vmem>>) target(%dma_start3A_165 : memref<8x2048xf32, #tpu.memory_space<hbm>>) target_semaphore(%arg21 : memref<!tpu.dma_semaphore, #tpu.memory_space<semaphore_mem>>)
      %add3A_166 = arith.constant 4 : i32
      %add3A_167 = arith.addi %add3A_152, %add3A_166 : i32
      %lt3A_168 = arith.constant 128 : i32
      %lt3A_169 = arith.cmpi slt, %add3A_167, %lt3A_168 : i32
      %convert_element_type3A_170 = arith.extui %lt3A_169 : i1 to i32
      %cond3A_171 = arith.constant 0 : i32
      %cond3A_172 = arith.cmpi ne, %convert_element_type3A_170, %cond3A_171 : i32
      scf.if %cond3A_172 {
        %ge3A = arith.constant 2 : i32
        %ge3A_217 = arith.cmpi sge, %add3A_152, %ge3A : i32
        %convert_element_type3A_218 = arith.extui %ge3A_217 : i1 to i32
        %cond3A_219 = arith.constant 0 : i32
        %cond3A_220 = arith.cmpi ne, %convert_element_type3A_218, %cond3A_219 : i32
        scf.if %cond3A_220 {
          %sub3A = arith.constant 2 : i32
          %sub3A_229 = arith.subi %add3A_152, %sub3A : i32
          %mul3A_230 = arith.constant 8 : i32
          %mul3A_231 = arith.muli %sub3A_229, %mul3A_230 : i32
          %add3A_232 = arith.addi %mul3A_2, %mul3A_231 : i32
          %dma_wait3A_233 = arith.constant 0 : i32
          %dma_wait3A_234 = tpu.memref_slice %arg4[%add3A_232, %dma_wait3A_233] : memref<32768x2048xf32, #tpu.memory_space<hbm>> -> memref<8x2048xf32, #tpu.memory_space<hbm>>
          %dma_wait3A_235 = arith.constant 0 : i32
          %dma_wait3A_236 = tpu.memref_slice %arg4[%add3A_232, %dma_wait3A_235] : memref<32768x2048xf32, #tpu.memory_space<hbm>> -> memref<8x2048xf32, #tpu.memory_space<hbm>>
          tpu.wait_dma2 semaphore(%arg19 : memref<!tpu.dma_semaphore, #tpu.memory_space<semaphore_mem>>) src(%arg7 : memref<8x2048xf32, #tpu.memory_space<vmem>>) dst(%dma_wait3A_236 : memref<8x2048xf32, #tpu.memory_space<hbm>>)
        } else {
        }
        %add3A_221 = arith.constant 4 : i32
        %add3A_222 = arith.addi %add3A_152, %add3A_221 : i32
        %mul3A_223 = arith.constant 8 : i32
        %mul3A_224 = arith.muli %add3A_222, %mul3A_223 : i32
        %dma_start3A_225 = tpu.memref_slice %arg5[%mul3A_224] : memref<1024xi32, #tpu.memory_space<vmem>> -> memref<8xi32, #tpu.memory_space<vmem>>
        %dma_start3A_226 = arith.constant 0 : i32
        %dma_start3A_227 = arith.constant 0 : i32
        %dma_start3A_228 = tpu.memref_slice %arg3[%dma_start3A_226, %dma_start3A_227] : memref<8192x2048xf32, #tpu.memory_space<hbm>> -> memref<8192x2048xf32, #tpu.memory_space<hbm>>
        tpu.enqueue_indirect_dma source(%dma_start3A_228 : memref<8192x2048xf32, #tpu.memory_space<hbm>>) target(%arg7 : memref<8x2048xf32, #tpu.memory_space<vmem>>) offsets(%dma_start3A_225 : memref<8xi32, #tpu.memory_space<vmem>>) semaphore(%arg13 : memref<!tpu.dma_semaphore, #tpu.memory_space<semaphore_mem>>)
      } else {
      }
      %add3A_173 = arith.constant 4 : i32
      %add3A_174 = arith.addi %add3A_87, %add3A_173 : i32
      %mul3A_175 = arith.constant 8 : i32
      %mul3A_176 = arith.muli %add3A_174, %mul3A_175 : i32
      %dma_wait3A_177 = tpu.memref_slice %arg5[%mul3A_176] : memref<1024xi32, #tpu.memory_space<vmem>> -> memref<8xi32, #tpu.memory_space<vmem>>
      %dma_wait3A_178 = arith.constant 0 : i32
      %dma_wait3A_179 = arith.constant 0 : i32
      %dma_wait3A_180 = tpu.memref_slice %arg3[%dma_wait3A_178, %dma_wait3A_179] : memref<8192x2048xf32, #tpu.memory_space<hbm>> -> memref<8192x2048xf32, #tpu.memory_space<hbm>>
      tpu.wait_indirect_dma semaphore(%arg16 : memref<!tpu.dma_semaphore, #tpu.memory_space<semaphore_mem>>) src(%dma_wait3A_180 : memref<8192x2048xf32, #tpu.memory_space<hbm>>) dst(%arg10 : memref<8x2048xf32, #tpu.memory_space<vmem>>)
      %mul3A_181 = arith.constant 8 : i32
      %mul3A_182 = arith.muli %add3A_174, %mul3A_181 : i32
      %add3A_183 = arith.addi %mul3A_2, %mul3A_182 : i32
      %dma_start3A_184 = arith.constant 0 : i32
      %dma_start3A_185 = tpu.memref_slice %arg4[%add3A_183, %dma_start3A_184] : memref<32768x2048xf32, #tpu.memory_space<hbm>> -> memref<8x2048xf32, #tpu.memory_space<hbm>>
      %dma_start3A_186 = arith.constant 0 : i32
      %dma_start3A_187 = tpu.memref_slice %arg4[%add3A_183, %dma_start3A_186] : memref<32768x2048xf32, #tpu.memory_space<hbm>> -> memref<8x2048xf32, #tpu.memory_space<hbm>>
      tpu.enqueue_dma source(%arg10 : memref<8x2048xf32, #tpu.memory_space<vmem>>) target(%dma_start3A_187 : memref<8x2048xf32, #tpu.memory_space<hbm>>) target_semaphore(%arg22 : memref<!tpu.dma_semaphore, #tpu.memory_space<semaphore_mem>>)
      %add3A_188 = arith.constant 4 : i32
      %add3A_189 = arith.addi %add3A_174, %add3A_188 : i32
      %lt3A_190 = arith.constant 128 : i32
      %lt3A_191 = arith.cmpi slt, %add3A_189, %lt3A_190 : i32
      %convert_element_type3A_192 = arith.extui %lt3A_191 : i1 to i32
      %cond3A_193 = arith.constant 0 : i32
      %cond3A_194 = arith.cmpi ne, %convert_element_type3A_192, %cond3A_193 : i32
      scf.if %cond3A_194 {
        %ge3A = arith.constant 2 : i32
        %ge3A_217 = arith.cmpi sge, %add3A_174, %ge3A : i32
        %convert_element_type3A_218 = arith.extui %ge3A_217 : i1 to i32
        %cond3A_219 = arith.constant 0 : i32
        %cond3A_220 = arith.cmpi ne, %convert_element_type3A_218, %cond3A_219 : i32
        scf.if %cond3A_220 {
          %sub3A = arith.constant 2 : i32
          %sub3A_229 = arith.subi %add3A_174, %sub3A : i32
          %mul3A_230 = arith.constant 8 : i32
          %mul3A_231 = arith.muli %sub3A_229, %mul3A_230 : i32
          %add3A_232 = arith.addi %mul3A_2, %mul3A_231 : i32
          %dma_wait3A_233 = arith.constant 0 : i32
          %dma_wait3A_234 = tpu.memref_slice %arg4[%add3A_232, %dma_wait3A_233] : memref<32768x2048xf32, #tpu.memory_space<hbm>> -> memref<8x2048xf32, #tpu.memory_space<hbm>>
          %dma_wait3A_235 = arith.constant 0 : i32
          %dma_wait3A_236 = tpu.memref_slice %arg4[%add3A_232, %dma_wait3A_235] : memref<32768x2048xf32, #tpu.memory_space<hbm>> -> memref<8x2048xf32, #tpu.memory_space<hbm>>
          tpu.wait_dma2 semaphore(%arg20 : memref<!tpu.dma_semaphore, #tpu.memory_space<semaphore_mem>>) src(%arg8 : memref<8x2048xf32, #tpu.memory_space<vmem>>) dst(%dma_wait3A_236 : memref<8x2048xf32, #tpu.memory_space<hbm>>)
        } else {
        }
        %add3A_221 = arith.constant 4 : i32
        %add3A_222 = arith.addi %add3A_174, %add3A_221 : i32
        %mul3A_223 = arith.constant 8 : i32
        %mul3A_224 = arith.muli %add3A_222, %mul3A_223 : i32
        %dma_start3A_225 = tpu.memref_slice %arg5[%mul3A_224] : memref<1024xi32, #tpu.memory_space<vmem>> -> memref<8xi32, #tpu.memory_space<vmem>>
        %dma_start3A_226 = arith.constant 0 : i32
        %dma_start3A_227 = arith.constant 0 : i32
        %dma_start3A_228 = tpu.memref_slice %arg3[%dma_start3A_226, %dma_start3A_227] : memref<8192x2048xf32, #tpu.memory_space<hbm>> -> memref<8192x2048xf32, #tpu.memory_space<hbm>>
        tpu.enqueue_indirect_dma source(%dma_start3A_228 : memref<8192x2048xf32, #tpu.memory_space<hbm>>) target(%arg8 : memref<8x2048xf32, #tpu.memory_space<vmem>>) offsets(%dma_start3A_225 : memref<8xi32, #tpu.memory_space<vmem>>) semaphore(%arg14 : memref<!tpu.dma_semaphore, #tpu.memory_space<semaphore_mem>>)
      } else {
      }
      %add3A_195 = arith.constant 5 : i32
      %add3A_196 = arith.addi %add3A_87, %add3A_195 : i32
      %mul3A_197 = arith.constant 8 : i32
      %mul3A_198 = arith.muli %add3A_196, %mul3A_197 : i32
      %dma_wait3A_199 = tpu.memref_slice %arg5[%mul3A_198] : memref<1024xi32, #tpu.memory_space<vmem>> -> memref<8xi32, #tpu.memory_space<vmem>>
      %dma_wait3A_200 = arith.constant 0 : i32
      %dma_wait3A_201 = arith.constant 0 : i32
      %dma_wait3A_202 = tpu.memref_slice %arg3[%dma_wait3A_200, %dma_wait3A_201] : memref<8192x2048xf32, #tpu.memory_space<hbm>> -> memref<8192x2048xf32, #tpu.memory_space<hbm>>
      tpu.wait_indirect_dma semaphore(%arg17 : memref<!tpu.dma_semaphore, #tpu.memory_space<semaphore_mem>>) src(%dma_wait3A_202 : memref<8192x2048xf32, #tpu.memory_space<hbm>>) dst(%arg11 : memref<8x2048xf32, #tpu.memory_space<vmem>>)
      %mul3A_203 = arith.constant 8 : i32
      %mul3A_204 = arith.muli %add3A_196, %mul3A_203 : i32
      %add3A_205 = arith.addi %mul3A_2, %mul3A_204 : i32
      %dma_start3A_206 = arith.constant 0 : i32
      %dma_start3A_207 = tpu.memref_slice %arg4[%add3A_205, %dma_start3A_206] : memref<32768x2048xf32, #tpu.memory_space<hbm>> -> memref<8x2048xf32, #tpu.memory_space<hbm>>
      %dma_start3A_208 = arith.constant 0 : i32
      %dma_start3A_209 = tpu.memref_slice %arg4[%add3A_205, %dma_start3A_208] : memref<32768x2048xf32, #tpu.memory_space<hbm>> -> memref<8x2048xf32, #tpu.memory_space<hbm>>
      tpu.enqueue_dma source(%arg11 : memref<8x2048xf32, #tpu.memory_space<vmem>>) target(%dma_start3A_209 : memref<8x2048xf32, #tpu.memory_space<hbm>>) target_semaphore(%arg23 : memref<!tpu.dma_semaphore, #tpu.memory_space<semaphore_mem>>)
      %add3A_210 = arith.constant 4 : i32
      %add3A_211 = arith.addi %add3A_196, %add3A_210 : i32
      %lt3A_212 = arith.constant 128 : i32
      %lt3A_213 = arith.cmpi slt, %add3A_211, %lt3A_212 : i32
      %convert_element_type3A_214 = arith.extui %lt3A_213 : i1 to i32
      %cond3A_215 = arith.constant 0 : i32
      %cond3A_216 = arith.cmpi ne, %convert_element_type3A_214, %cond3A_215 : i32
      scf.if %cond3A_216 {
        %ge3A = arith.constant 2 : i32
        %ge3A_217 = arith.cmpi sge, %add3A_196, %ge3A : i32
        %convert_element_type3A_218 = arith.extui %ge3A_217 : i1 to i32
        %cond3A_219 = arith.constant 0 : i32
        %cond3A_220 = arith.cmpi ne, %convert_element_type3A_218, %cond3A_219 : i32
        scf.if %cond3A_220 {
          %sub3A = arith.constant 2 : i32
          %sub3A_229 = arith.subi %add3A_196, %sub3A : i32
          %mul3A_230 = arith.constant 8 : i32
          %mul3A_231 = arith.muli %sub3A_229, %mul3A_230 : i32
          %add3A_232 = arith.addi %mul3A_2, %mul3A_231 : i32
          %dma_wait3A_233 = arith.constant 0 : i32
          %dma_wait3A_234 = tpu.memref_slice %arg4[%add3A_232, %dma_wait3A_233] : memref<32768x2048xf32, #tpu.memory_space<hbm>> -> memref<8x2048xf32, #tpu.memory_space<hbm>>
          %dma_wait3A_235 = arith.constant 0 : i32
          %dma_wait3A_236 = tpu.memref_slice %arg4[%add3A_232, %dma_wait3A_235] : memref<32768x2048xf32, #tpu.memory_space<hbm>> -> memref<8x2048xf32, #tpu.memory_space<hbm>>
          tpu.wait_dma2 semaphore(%arg21 : memref<!tpu.dma_semaphore, #tpu.memory_space<semaphore_mem>>) src(%arg9 : memref<8x2048xf32, #tpu.memory_space<vmem>>) dst(%dma_wait3A_236 : memref<8x2048xf32, #tpu.memory_space<hbm>>)
        } else {
        }
        %add3A_221 = arith.constant 4 : i32
        %add3A_222 = arith.addi %add3A_196, %add3A_221 : i32
        %mul3A_223 = arith.constant 8 : i32
        %mul3A_224 = arith.muli %add3A_222, %mul3A_223 : i32
        %dma_start3A_225 = tpu.memref_slice %arg5[%mul3A_224] : memref<1024xi32, #tpu.memory_space<vmem>> -> memref<8xi32, #tpu.memory_space<vmem>>
        %dma_start3A_226 = arith.constant 0 : i32
        %dma_start3A_227 = arith.constant 0 : i32
        %dma_start3A_228 = tpu.memref_slice %arg3[%dma_start3A_226, %dma_start3A_227] : memref<8192x2048xf32, #tpu.memory_space<hbm>> -> memref<8192x2048xf32, #tpu.memory_space<hbm>>
        tpu.enqueue_indirect_dma source(%dma_start3A_228 : memref<8192x2048xf32, #tpu.memory_space<hbm>>) target(%arg9 : memref<8x2048xf32, #tpu.memory_space<vmem>>) offsets(%dma_start3A_225 : memref<8xi32, #tpu.memory_space<vmem>>) semaphore(%arg15 : memref<!tpu.dma_semaphore, #tpu.memory_space<semaphore_mem>>)
      } else {
      }
    }
    %scan3A_25 = arith.constant 21 : i32
    %dma_wait3A = arith.constant 1008 : i32
    %dma_wait3A_26 = tpu.memref_slice %arg5[%dma_wait3A] : memref<1024xi32, #tpu.memory_space<vmem>> -> memref<8xi32, #tpu.memory_space<vmem>>
    %dma_wait3A_27 = arith.constant 0 : i32
    %dma_wait3A_28 = arith.constant 0 : i32
    %dma_wait3A_29 = tpu.memref_slice %arg3[%dma_wait3A_27, %dma_wait3A_28] : memref<8192x2048xf32, #tpu.memory_space<hbm>> -> memref<8192x2048xf32, #tpu.memory_space<hbm>>
    tpu.wait_indirect_dma semaphore(%arg12 : memref<!tpu.dma_semaphore, #tpu.memory_space<semaphore_mem>>) src(%dma_wait3A_29 : memref<8192x2048xf32, #tpu.memory_space<hbm>>) dst(%arg6 : memref<8x2048xf32, #tpu.memory_space<vmem>>)
    %add3A_30 = arith.constant 1008 : i32
    %add3A_31 = arith.addi %mul3A_2, %add3A_30 : i32
    %dma_start3A_32 = arith.constant 0 : i32
    %dma_start3A_33 = tpu.memref_slice %arg4[%add3A_31, %dma_start3A_32] : memref<32768x2048xf32, #tpu.memory_space<hbm>> -> memref<8x2048xf32, #tpu.memory_space<hbm>>
    %dma_start3A_34 = arith.constant 0 : i32
    %dma_start3A_35 = tpu.memref_slice %arg4[%add3A_31, %dma_start3A_34] : memref<32768x2048xf32, #tpu.memory_space<hbm>> -> memref<8x2048xf32, #tpu.memory_space<hbm>>
    tpu.enqueue_dma source(%arg6 : memref<8x2048xf32, #tpu.memory_space<vmem>>) target(%dma_start3A_35 : memref<8x2048xf32, #tpu.memory_space<hbm>>) target_semaphore(%arg18 : memref<!tpu.dma_semaphore, #tpu.memory_space<semaphore_mem>>)
    %dma_wait3A_36 = arith.constant 1016 : i32
    %dma_wait3A_37 = tpu.memref_slice %arg5[%dma_wait3A_36] : memref<1024xi32, #tpu.memory_space<vmem>> -> memref<8xi32, #tpu.memory_space<vmem>>
    %dma_wait3A_38 = arith.constant 0 : i32
    %dma_wait3A_39 = arith.constant 0 : i32
    %dma_wait3A_40 = tpu.memref_slice %arg3[%dma_wait3A_38, %dma_wait3A_39] : memref<8192x2048xf32, #tpu.memory_space<hbm>> -> memref<8192x2048xf32, #tpu.memory_space<hbm>>
    tpu.wait_indirect_dma semaphore(%arg13 : memref<!tpu.dma_semaphore, #tpu.memory_space<semaphore_mem>>) src(%dma_wait3A_40 : memref<8192x2048xf32, #tpu.memory_space<hbm>>) dst(%arg7 : memref<8x2048xf32, #tpu.memory_space<vmem>>)
    %add3A_41 = arith.constant 1016 : i32
    %add3A_42 = arith.addi %mul3A_2, %add3A_41 : i32
    %dma_start3A_43 = arith.constant 0 : i32
    %dma_start3A_44 = tpu.memref_slice %arg4[%add3A_42, %dma_start3A_43] : memref<32768x2048xf32, #tpu.memory_space<hbm>> -> memref<8x2048xf32, #tpu.memory_space<hbm>>
    %dma_start3A_45 = arith.constant 0 : i32
    %dma_start3A_46 = tpu.memref_slice %arg4[%add3A_42, %dma_start3A_45] : memref<32768x2048xf32, #tpu.memory_space<hbm>> -> memref<8x2048xf32, #tpu.memory_space<hbm>>
    tpu.enqueue_dma source(%arg7 : memref<8x2048xf32, #tpu.memory_space<vmem>>) target(%dma_start3A_46 : memref<8x2048xf32, #tpu.memory_space<hbm>>) target_semaphore(%arg19 : memref<!tpu.dma_semaphore, #tpu.memory_space<semaphore_mem>>)
    %add3A_47 = arith.constant 976 : i32
    %add3A_48 = arith.addi %mul3A_2, %add3A_47 : i32
    %dma_wait3A_49 = arith.constant 0 : i32
    %dma_wait3A_50 = tpu.memref_slice %arg4[%add3A_48, %dma_wait3A_49] : memref<32768x2048xf32, #tpu.memory_space<hbm>> -> memref<8x2048xf32, #tpu.memory_space<hbm>>
    %dma_wait3A_51 = arith.constant 0 : i32
    %dma_wait3A_52 = tpu.memref_slice %arg4[%add3A_48, %dma_wait3A_51] : memref<32768x2048xf32, #tpu.memory_space<hbm>> -> memref<8x2048xf32, #tpu.memory_space<hbm>>
    tpu.wait_dma2 semaphore(%arg20 : memref<!tpu.dma_semaphore, #tpu.memory_space<semaphore_mem>>) src(%arg8 : memref<8x2048xf32, #tpu.memory_space<vmem>>) dst(%dma_wait3A_52 : memref<8x2048xf32, #tpu.memory_space<hbm>>)
    %add3A_53 = arith.constant 984 : i32
    %add3A_54 = arith.addi %mul3A_2, %add3A_53 : i32
    %dma_wait3A_55 = arith.constant 0 : i32
    %dma_wait3A_56 = tpu.memref_slice %arg4[%add3A_54, %dma_wait3A_55] : memref<32768x2048xf32, #tpu.memory_space<hbm>> -> memref<8x2048xf32, #tpu.memory_space<hbm>>
    %dma_wait3A_57 = arith.constant 0 : i32
    %dma_wait3A_58 = tpu.memref_slice %arg4[%add3A_54, %dma_wait3A_57] : memref<32768x2048xf32, #tpu.memory_space<hbm>> -> memref<8x2048xf32, #tpu.memory_space<hbm>>
    tpu.wait_dma2 semaphore(%arg21 : memref<!tpu.dma_semaphore, #tpu.memory_space<semaphore_mem>>) src(%arg9 : memref<8x2048xf32, #tpu.memory_space<vmem>>) dst(%dma_wait3A_58 : memref<8x2048xf32, #tpu.memory_space<hbm>>)
    %add3A_59 = arith.constant 992 : i32
    %add3A_60 = arith.addi %mul3A_2, %add3A_59 : i32
    %dma_wait3A_61 = arith.constant 0 : i32
    %dma_wait3A_62 = tpu.memref_slice %arg4[%add3A_60, %dma_wait3A_61] : memref<32768x2048xf32, #tpu.memory_space<hbm>> -> memref<8x2048xf32, #tpu.memory_space<hbm>>
    %dma_wait3A_63 = arith.constant 0 : i32
    %dma_wait3A_64 = tpu.memref_slice %arg4[%add3A_60, %dma_wait3A_63] : memref<32768x2048xf32, #tpu.memory_space<hbm>> -> memref<8x2048xf32, #tpu.memory_space<hbm>>
    tpu.wait_dma2 semaphore(%arg22 : memref<!tpu.dma_semaphore, #tpu.memory_space<semaphore_mem>>) src(%arg10 : memref<8x2048xf32, #tpu.memory_space<vmem>>) dst(%dma_wait3A_64 : memref<8x2048xf32, #tpu.memory_space<hbm>>)
    %add3A_65 = arith.constant 1000 : i32
    %add3A_66 = arith.addi %mul3A_2, %add3A_65 : i32
    %dma_wait3A_67 = arith.constant 0 : i32
    %dma_wait3A_68 = tpu.memref_slice %arg4[%add3A_66, %dma_wait3A_67] : memref<32768x2048xf32, #tpu.memory_space<hbm>> -> memref<8x2048xf32, #tpu.memory_space<hbm>>
    %dma_wait3A_69 = arith.constant 0 : i32
    %dma_wait3A_70 = tpu.memref_slice %arg4[%add3A_66, %dma_wait3A_69] : memref<32768x2048xf32, #tpu.memory_space<hbm>> -> memref<8x2048xf32, #tpu.memory_space<hbm>>
    tpu.wait_dma2 semaphore(%arg23 : memref<!tpu.dma_semaphore, #tpu.memory_space<semaphore_mem>>) src(%arg11 : memref<8x2048xf32, #tpu.memory_space<vmem>>) dst(%dma_wait3A_70 : memref<8x2048xf32, #tpu.memory_space<hbm>>)
    %add3A_71 = arith.constant 1008 : i32
    %add3A_72 = arith.addi %mul3A_2, %add3A_71 : i32
    %dma_wait3A_73 = arith.constant 0 : i32
    %dma_wait3A_74 = tpu.memref_slice %arg4[%add3A_72, %dma_wait3A_73] : memref<32768x2048xf32, #tpu.memory_space<hbm>> -> memref<8x2048xf32, #tpu.memory_space<hbm>>
    %dma_wait3A_75 = arith.constant 0 : i32
    %dma_wait3A_76 = tpu.memref_slice %arg4[%add3A_72, %dma_wait3A_75] : memref<32768x2048xf32, #tpu.memory_space<hbm>> -> memref<8x2048xf32, #tpu.memory_space<hbm>>
    tpu.wait_dma2 semaphore(%arg18 : memref<!tpu.dma_semaphore, #tpu.memory_space<semaphore_mem>>) src(%arg6 : memref<8x2048xf32, #tpu.memory_space<vmem>>) dst(%dma_wait3A_76 : memref<8x2048xf32, #tpu.memory_space<hbm>>)
    %add3A_77 = arith.constant 1016 : i32
    %add3A_78 = arith.addi %mul3A_2, %add3A_77 : i32
    %dma_wait3A_79 = arith.constant 0 : i32
    %dma_wait3A_80 = tpu.memref_slice %arg4[%add3A_78, %dma_wait3A_79] : memref<32768x2048xf32, #tpu.memory_space<hbm>> -> memref<8x2048xf32, #tpu.memory_space<hbm>>
    %dma_wait3A_81 = arith.constant 0 : i32
    %dma_wait3A_82 = tpu.memref_slice %arg4[%add3A_78, %dma_wait3A_81] : memref<32768x2048xf32, #tpu.memory_space<hbm>> -> memref<8x2048xf32, #tpu.memory_space<hbm>>
    tpu.wait_dma2 semaphore(%arg19 : memref<!tpu.dma_semaphore, #tpu.memory_space<semaphore_mem>>) src(%arg7 : memref<8x2048xf32, #tpu.memory_space<vmem>>) dst(%dma_wait3A_82 : memref<8x2048xf32, #tpu.memory_space<hbm>>)
    return
  }
}

</mosaic_0001>

<sc_bundles>
// kernel: kernel.3.cloned.1.call-start
scs
__scs_entry_jumppad:
0x0: {  	(pc) =	sbr.rel $0x88, $3  }
0x1: {  	(tag) =	ssettag $0x0;
	lr =	simm.s32 $0x1  }
0x2: {  	[smem:$0x3F9F] =	sst lr;
	_ =	strace $0xD0000000  }
0x3: {  	_ = 	snop  }
0x4: {  	_ = 	snop  }
0x5: {  	_ = 	snop  }
0x6: {  	_ = 	snop  }
0x7: {  	_ = 	snop  }
__scs_overlays_trampoline_lowered:
0x8: {  	[smem:$0x3FAE] =	sst s0  }
0x9: {  	[smem:$0x3FAF] =	sst s1  }
0xa: {  	[smem:$0x3FB0] =	sst s2  }
0xb: {  	[smem:$0x3FB1] =	sst s3  }
0xc: {  	[smem:$0x3FB2] =	sst s4  }
0xd: {  	[smem:$0x3FB3] =	sst s5  }
0xe: {  	[smem:$0x3FB4] =	sst s6  }
0xf: {  	[smem:$0x3FB5] =	sst s7  }
0x10: {  	[smem:$0x3FB6] =	sst s8  }
0x11: {  	[smem:$0x3FB7] =	sst s9;
	s0 =	simm.s32 @!p0 $0x0  }
0x12: {  	s1 =	sld [smem:$0x3F9D];
	s0 =	simm.s32 @p0 $0x1  }
0x13: {  	[smem:$0x3FB8] =	sst s0;
	s0 =	simm.s32 @!p1 $0x0  }
0x14: {  	s2 =	sld [smem:$0x3F9C];
	s0 =	simm.s32 @p1 $0x1  }
0x15: {  	[smem:$0x3FB9] =	sst s0;
	s0 =	simm.s32 @!p2 $0x0  }
0x16: {  	s3 =	sld [smem:$0x3FDB];
	s0 =	simm.s32 @p2 $0x1  }
0x17: {  	s4 =	simm.s32 $0x1BF5;
	[smem:$0x3FBB] =	sst s0  }
0x18: {  	s0 =	sld [smem:$0x3F9E];
	_ =	swait.ge [sflag:s4], $0x0  }
0x19: {  	s7 =	sld [smem:$0x3F9F]  }
0x1a: {  	s8 =	sadd.s32 $0xFFFFE003, lr  }
0x1b: {  	s9 =	sadd.s32 $0xFFFFFEF7, lr;
	s5 =	simm.s32 $0xFFFFFFFF;
	p2 =	slt.u32 s8, $0xFFFFF086  }
0x1c: {  	p1 =	slt.u32 s9, $0xF7A;
	s5 =	simm.s32 @!p2 $0x0  }
0x1d: {  	s5 =	simm.s32 @p1 $0x1;
	p0 =	seq.s32 s7, s2  }
0x1e: {  	s7 =	smul.u32 @!p0 $0xF7A, s2;
	p2 =	seq.s32 @!p0 s5, $0x0  }
0x1f: {  	s9 =	smul.u32 $0xF7A, s1;
	s8 =	simm.s32 @!p0 $0x1BF5;
	p2 =	por !p2, p0  }
0x20: {  	[sflag:s8] =	ssyncset.s32 @!p0 $0xFFFFF086;
	s6 =	sadd.s32 @!p0 s3, s7;
	s7 =	simm.s32 @!p0 $0x108  }
0x21: {  	s3 =	sadd.s32 s3, s9;
	s6 =	sadd.s32 @!p0 $0x88, s6;
	s7 =	simm.s32 @p2 $0x1082  }
0x22: {  	[simem:s7], [sflag:s8] =	dma.local @!p0 [hbm:s6], $0xF7A  }
0x23: {  	s9 =	sor.u32 $0xD0000000, s2;
	s6 =	simm.s32 $0x108;
	_ =	swait.ge @!p0 [sflag:s8], $0x0  }
0x24: {  	s3 =	sadd.s32 $0x88, s3;
	s6 =	simm.s32 @!p1 $0x1082;
	[sflag:s4] =	ssyncset.s32 $0xFFFFF086  }
0x25: {  	[simem:s6], [sflag:s4] =	dma.local [hbm:s3], $0xF7A  }
0x26: {  	[smem:$0x3F9F] =	sst s1;
	(tag) =	ssettag s2;
	_ =	strace s9  }
0x27: {  	s1 =	sld [smem:$0x3FAF]  }
0x28: {  	s2 =	sld [smem:$0x3FB0]  }
0x29: {  	s4 =	sld [smem:$0x3FB2]  }
0x2a: {  	p0 =	seq.s32 s5, $0x0;
	s5 =	sld [smem:$0x3FB3]  }
0x2b: {  	s6 =	sld [smem:$0x3FB4]  }
0x2c: {  	s7 =	sld [smem:$0x3FB5]  }
0x2d: {  	s3 =	simm.s32 $0x108;
	s8 =	sld [smem:$0x3FB6]  }
0x2e: {  	s3 =	simm.s32 @!p0 $0x1082;
	s9 =	sld [smem:$0x3FB7]  }
0x2f: {  	lr =	sadd.s32 s0, s3;
	s0 =	sld [smem:$0x3FAE]  }
0x30: {  	s3 =	sld [smem:$0x3FB1]  }
0x31: {  	[smem:$0x3FBA] =	sst s10  }
0x32: {  	s10 =	sld [smem:$0x3FB8];
	_ =	sdelay $0x3  }
0x33: {  	p0 =	seq.s32 s10, $0x1;
	s10 =	sld [smem:$0x3FBA];
	_ =	sdelay $0x3  }
0x34: {  	[smem:$0x3FBA] =	sst s10  }
0x35: {  	s10 =	sld [smem:$0x3FB9];
	_ =	sdelay $0x3  }
0x36: {  	p1 =	seq.s32 s10, $0x1;
	s10 =	sld [smem:$0x3FBA];
	_ =	sdelay $0x3  }
0x37: {  	[smem:$0x3FBA] =	sst s10  }
0x38: {  	s10 =	sld [smem:$0x3FBB]  }
0x39: {  	_ = 	snop;
	(pc) =	sbr.ind lr, $3  }
0x3a: {  	_ = 	snop  }
0x3b: {  	_ = 	snop  }
0x3c: {  	p2 =	seq.s32 s10, $0x1;
	s10 =	sld [smem:$0x3FBA]  }
0x3d: {  	_ =	shalt  }
0x3e: {  	_ =	shalt  }
0x3f: {  	_ =	shalt  }
0x40: {  	_ =	shalt  }
0x41: {  	_ =	shalt  }
0x42: {  	_ =	shalt  }
0x43: {  	_ =	shalt  }
0x44: {  	_ =	shalt  }
0x45: {  	_ =	shalt  }
0x46: {  	_ =	shalt  }
0x47: {  	_ =	shalt  }
0x48: {  	_ =	shalt  }
0x49: {  	_ =	shalt  }
0x4a: {  	_ =	shalt  }
0x4b: {  	_ =	shalt  }
0x4c: {  	_ =	shalt  }
0x4d: {  	_ =	shalt  }
0x4e: {  	_ =	shalt  }
0x4f: {  	_ =	shalt  }
0x50: {  	_ =	shalt  }
0x51: {  	_ =	shalt  }
0x52: {  	_ =	shalt  }
0x53: {  	_ =	shalt  }
0x54: {  	_ =	shalt  }
0x55: {  	_ =	shalt  }
0x56: {  	_ =	shalt  }
0x57: {  	_ =	shalt  }
0x58: {  	_ =	shalt  }
0x59: {  	_ =	shalt  }
0x5a: {  	_ =	shalt  }
0x5b: {  	_ =	shalt  }
0x5c: {  	_ =	shalt  }
0x5d: {  	_ =	shalt  }
0x5e: {  	_ =	shalt  }
0x5f: {  	_ =	shalt  }
0x60: {  	_ =	shalt  }
0x61: {  	_ =	shalt  }
0x62: {  	_ =	shalt  }
0x63: {  	_ =	shalt  }
0x64: {  	_ =	shalt  }
0x65: {  	_ =	shalt  }
0x66: {  	_ =	shalt  }
0x67: {  	_ =	shalt  }
0x68: {  	_ =	shalt  }
0x69: {  	_ =	shalt  }
0x6a: {  	_ =	shalt  }
0x6b: {  	_ =	shalt  }
0x6c: {  	_ =	shalt  }
0x6d: {  	_ =	shalt  }
0x6e: {  	_ =	shalt  }
0x6f: {  	_ =	shalt  }
0x70: {  	_ =	shalt  }
0x71: {  	_ =	shalt  }
0x72: {  	_ =	shalt  }
0x73: {  	_ =	shalt  }
0x74: {  	_ =	shalt  }
0x75: {  	_ =	shalt  }
0x76: {  	_ =	shalt  }
0x77: {  	_ =	shalt  }
0x78: {  	_ =	shalt  }
0x79: {  	_ =	shalt  }
0x7a: {  	_ =	shalt  }
0x7b: {  	_ =	shalt  }
0x7c: {  	_ =	shalt  }
0x7d: {  	_ =	shalt  }
0x7e: {  	_ =	shalt  }
0x7f: {  	_ =	shalt  }
0x80: {  	_ =	shalt  }
0x81: {  	_ =	shalt  }
0x82: {  	_ =	shalt  }
0x83: {  	_ =	shalt  }
0x84: {  	_ =	shalt  }
0x85: {  	_ =	shalt  }
0x86: {  	_ =	shalt  }
0x87: {  	_ =	shalt  }
.Lfunc_end0:
.L_simem_size_0:
called_computation_lowered:
.L_overlay_start_0:
0x88: {  	s2 =	sld [smem:$0x3FD9]  }
0x89: {  	s3 =	sld [smem:$0x3FFE];
	_ =	sdelay $0x1  }
0x8a: {  	s1 =	srdreg.scid  }
0x8b: {  	s0 =	sand.u32 $0x1, s1  }
0x8c: {  	s17 =	sshll.u32 s0, $0xA;
	s2 =	sadd.s32 s3, s2  }
0x8d: {  	s2 =	sadd.s32 s2, s17  }
0x8e: {  	[smem:$0x3FC6] =	sst s2  }
0x8f: {  	_ = 	snop  }
0x90: {  	s2 =	sld [smem:$0x3FC8]  }
0x91: {  	s18 =	sld [smem:$0x3FD0];
	(tm) =	ssettm $0x1  }
0x92: {  	s4 =	sld [smem:$0x3FFB];
	_ =	sdelay $0x3  }
0x93: {  	_ =	strace s4  }
0x94: {  	s4 =	sld [smem:$0x3FFC];
	_ =	sdelay $0x3  }
0x95: {  	_ =	strace s4  }
0x96: {  	s4 =	sld [smem:$0x3FFD];
	_ =	sdelay $0x3  }
0x97: {  	_ =	strace s4  }
0x98: {  	_ =	strace $0x8FFFFFFF  }
0x99: {  	s19 =	sld [smem:$0x3FDB];
	_ =	sdelay $0x1  }
0x9a: {  	s5 =	simm.s32 $_scs_section_size  }
0x9b: {  	s6 =	simm.s32 $_size__tile_overlayer_lowered;
	s7 =	simm.s32 $_tile_overlayer_lowered  }
0x9c: {  	s22 =	simm.s32 $0x1BFF;
	s21 =	sshll.u32 s7, $0x1;
	s4 =	sadd.s32 s5, s19  }
0x9d: {  	s8 =	simm.s32 $0x0;
	s20 =	sshll.u32 s6, $0x1;
	s6 =	sadd.s32 s21, s4  }
0x9e: {  	[timem:s8], [sflag:s22] =	dma.local [hbm:s6], s20  }
0x9f: {  	_ =	swait.ge [sflag:s22], s20  }
0xa0: {  	s5 =	ssub.s32 $0x0, s20;
	[sflag:s22] =	ssyncset.done $0x0  }
0xa1: {  	[sflag:s22] =	ssyncadd.s32 s5;
	_ =	sdelay $0x1  }
0xa2: {  	s23 =	simm.s32 $0x1B8B  }
0xa3: {  	_ =	swait.ge [sflag:s23], $0x1  }
0xa4: {  	[sflag:s23] =	ssyncset.done $0x0  }
0xa5: {  	s25 =	simm.s32 $0x1B8E;
	s24 =	sld [smem:$0x3FFE];
	[sflag:s23] =	ssyncadd.s32 $0xFFFFFFFF  }
0xa6: {  	s26 =	simm.s32 $execute0_lowered;
	[smem:$0x3FD2] =	sst s25  }
0xa7: {  	s6 =	sshll.u32 s26, $0x1;
	_ =	strace $0x80000046;
	[dreg:$0x1] =	wrdreg $0xFFFFFFFF  }
0xa8: {  	s28 =	simm.s32 $_size_execute0_lowered;
	s4 =	sadd.s32 s4, s6;
	[dreg:$0x0] =	wrdreg $0x0  }
0xa9: {  	s6 =	sshll.u32 s28, $0x1;
	[dreg:$0x2] =	wrdreg s4  }
0xaa: {  	[dreg:$0x3] =	wrdreg s6  }
0xab: {  	[dreg:$0x4] =	wrdreg $0xC0  }
0xac: {  	_ =	task [dreg:s8], $0x5FFFF  }
0xad: {  	[dreg:$0x1] =	wrdreg $0xFFFFFFFF  }
0xae: {  	[dreg:$0x0] =	wrdreg $0x60  }
0xaf: {  	[dreg:$0x2] =	wrdreg s24  }
0xb0: {  	[dreg:$0x3] =	wrdreg s2  }
0xb1: {  	[dreg:$0x4] =	wrdreg s18  }
0xb2: {  	[dreg:$0x5] =	wrdreg $0x9  }
0xb3: {  	_ =	task.clear_ibuf [dreg:s8], $0x6FFFF;
	_ =	strace $0x90000046  }
0xb4: {  	s29 =	simm.s32 $0x9;
	_ =	strace $0x80000048  }
0xb5: {  	_ =	swait.ge [sflag:s29], $0x1  }
0xb6: {  	[sflag:s29] =	ssyncadd.s32 $0xFFFFFFFF  }
0xb7: {  	_ =	strace $0x90000048  }
0xb8: {  	_ =	sfence  }
0xb9: {  	s30 =	sld [smem:$0x0];
	_ =	sdelay $0x2  }
0xba: {  	s31 =	sshll.u32 s1, $0xD;
	s1 =	sshrl.u32 s1, $0x2  }
0xbb: {  	s3 =	sand.u32 $0x4000, s31;
	s1 =	sadd.s32 s1, s30  }
0xbc: {  	s0 =	sor.u32 s3, s0;
	s1 =	sshll.u32 s1, $0x11  }
0xbd: {  	s0 =	sor.u32 s1, s0  }
0xbe: {  	s0 =	sadd.s32 $0x8F2B, s0  }
0xbf: {  	[sflag:s0] =	ssyncadd.remote.s32 $0x1  }
0xc0: {  	_ =	sfence.sel $0xFFFF  }
0xc1: {  	[dreg:$0x0] =	wrdreg $0xFFFFFFFF;
	(pc) =	sbr.abs _section_cstart, $3  }
0xc2: {  	[dreg:$0x1] =	wrdreg $0xFFFFFFFF  }
0xc3: {  	_ =	task.clear_ibuf [dreg:s8], $0x2FFFF;
	_ =	strace $0x9FFFFFFF  }
0xc4: {  	(tm) =	ssettm $0x7FFFFFFF  }
0xc5: {  	_ =	shalt  }
tec
execute0_lowered:
.L_overlay_start_1:
0x0: {  	(tag) =	ssettag $0x1  }
0x1: {  	s0 =	rddreg [dreg:$0x0]  }
0x2: {  	s2 =	rddreg [dreg:$0x1]  }
0x3: {  	s1 =	srdreg.scid;
	s4 =	rddreg [dreg:$0x2]  }
0x4: {  	s13 =	stileid.u32;
	s3 =	simm.s32 $0x0;
	s20 =	simm.s32 $0x400  }
0x5: {  	s29 =	simm.s32 $0x4400;
	s15 =	simm.s32 $0x8400;
	s19 =	simm.s32 $0xC400  }
0x6: {  	s30 =	simm.s32 $0x14400;
	s28 =	simm.s32 $0x7;
	s31 =	simm.s32 $0x5  }
0x7: {  	s1 =	sand.u32 $0x1, s1;
	s5 =	sshll.u32 s13, $0xB;
	[smem:$0x7FF] =	sst s3  }
0x8: {  	s8 =	sadd.s32 $0x400, s2;
	s10 =	sadd.s32 $0x600, s2;
	s12 =	sadd.s32 $0x700, s2  }
0x9: {  	s23 =	sshll.u32 s13, $0x13;
	s13 =	simm.s32 $0x0;
	s6 =	sshll.u32 s1, $0xA  }
0xa: {  	s21 =	ssub.s32 $0x2, s1;
	_ =	strace $0x80000047;
	s1 =	sshll.u32 s1, $0x12  }
0xb: {  	s9 =	sor.u32 s6, s5;
	s7 =	sshrl.u32 s21, $0x1;
	s5 =	sadd.s32 $0x100, s2  }
0xc: {  	s6 =	sshrl.u32 s9, $0x3;
	s11 =	ssub.s32 s21, s7;
	s7 =	sadd.s32 $0x300, s2  }
0xd: {  	s22 =	sshll.u32 s9, $0x8;
	s9 =	sadd.s32 $0x500, s2;
	s21 =	simm.s32 $0x4  }
0xe: {  	s0 =	sadd.s32 s6, s0;
	s6 =	sadd.s32 $0x200, s2;
	s14 =	sadd.s32 s22, s4  }
0xf: {  	s25 =	smax.u32 s11, $0x1;
	s22 =	simm.s32 $0x2;
	s0 =	sadd.s32 $0x400, s0  }
0x10: {  	s24 =	sadd.s32 $0x3F800, s14;
	[dreg:$0x7] =	wrdreg s25;
	s26 =	sadd.s32 $0x1000, s14  }
0x11: {  	s17 =	smov.u32 s14;
	s18 =	sadd.s32 $0x2000, s14;
	[dreg:$0x4] =	wrdreg s0  }
.Ltmp0:
0x12: {  	s25 =	simm.s32 $0x10400;
	[dreg:$0x6] =	wrdreg s24;
	(pc) =	sbr.rel .LBB2_1-.Ltmp0, $4  }
0x13: {  	s0 =	sadd.s32 $0x3F000, s14;
	[dreg:$0x9] =	wrdreg s26;
	s14 =	simm.s32 $0x3  }
0x14: {  	v0 =	vlaneseq.u32;
	s24 =	simm.s32 $0x6;
	[dreg:$0x5] =	wrdreg s0;
	s0 =	sadd.s32 s23, s4  }
0x15: {  	v1 =	vshrl.u32 v0, $0x3;
	s23 =	simm.s32 $0x8;
	s4 =	simm.s32 $0xA;
	s0 =	sadd.s32 s1, s0  }
0x16: {  	vm0 =	vmmov $0xffff;
	v0 =	vand.u32 $0x7, v0;
	v1 =	vmul.u32 $0x8, v1;
	s1 =	simm.s32 $0x9;
	[dreg:$0x8] =	wrdreg s0;
	s0 =	simm.s32 $0x1  }
.LBB2_4:
0x17: {  	_ =	swait.ge [sflag:s24], $0x4000  }
0x18: {  	[sflag:s24] =	ssyncset.done $0x0  }
0x19: {  	[sflag:s24] =	ssyncadd.s32 $0xFFFFC000  }
0x1a: {  	[hbm4b:s11+s3] =	stream.linear.scatter [tilespmem:s30], [sflag:$0xC], $0x4000, $0x38;
	[tilespmem:$0x18400] =	vst v63  }
0x1b: {  	_ =	swait.ge [sflag:s0], $0x4000  }
0x1c: {  	[sflag:s0] =	ssyncset.done $0x0  }
0x1d: {  	s16 =	rddreg [dreg:$0x5];
	[sflag:s0] =	ssyncadd.s32 $0xFFFFC000  }
0x1e: {  	[hbm4b:s16+s3] =	stream.linear.scatter [tilespmem:s20], [sflag:$0x7], $0x4000, $0x38;
	[tilespmem:$0x18400] =	vst v63  }
0x1f: {  	_ =	swait.ge [sflag:s22], $0x4000  }
0x20: {  	[sflag:s22] =	ssyncset.done $0x0  }
0x21: {  	s26 =	rddreg [dreg:$0x6];
	[sflag:s22] =	ssyncadd.s32 $0xFFFFC000  }
0x22: {  	[hbm4b:s26+s3] =	stream.linear.scatter [tilespmem:s29], [sflag:$0x8], $0x4000, $0x38;
	[tilespmem:$0x18400] =	vst v63  }
0x23: {  	_ =	swait.ge [sflag:s1], $0x4000  }
0x24: {  	[sflag:s1] =	ssyncset.done $0x0  }
0x25: {  	[sflag:s1] =	ssyncadd.s32 $0xFFFFC000  }
0x26: {  	_ =	swait.ge [sflag:s4], $0x4000  }
0x27: {  	[sflag:s4] =	ssyncset.done $0x0  }
0x28: {  	s13 =	simm.s32 $0xB;
	[sflag:s4] =	ssyncadd.s32 $0xFFFFC000  }
0x29: {  	_ =	swait.ge [sflag:s13], $0x4000  }
0x2a: {  	[sflag:s13] =	ssyncset.done $0x0  }
0x2b: {  	s16 =	simm.s32 $0xC;
	[sflag:s13] =	ssyncadd.s32 $0xFFFFC000  }
0x2c: {  	_ =	swait.ge [sflag:s16], $0x4000  }
0x2d: {  	[sflag:s16] =	ssyncset.done $0x0  }
0x2e: {  	[sflag:s16] =	ssyncadd.s32 $0xFFFFC000  }
0x2f: {  	_ =	swait.ge [sflag:s28], $0x4000  }
0x30: {  	[sflag:s28] =	ssyncset.done $0x0  }
0x31: {  	[sflag:s28] =	ssyncadd.s32 $0xFFFFC000  }
0x32: {  	_ =	swait.ge [sflag:s23], $0x4000  }
0x33: {  	s13 =	rddreg [dreg:$0xa]  }
0x34: {  	s26 =	rddreg [dreg:$0x7];
	s13 =	sadd.s32 $0x1, s13  }
0x35: {  	p0 =	sne.s32 s13, s26  }
.Ltmp1:
0x36: {  	_ = 	snop;
	(pc) =	sbr.rel @!p0 .LBB2_5-.Ltmp1, $3  }
0x37: {  	_ =	sdelay $0x1  }
0x38: {  	[sflag:s23] =	ssyncset.done $0x0  }
0x39: {  	[sflag:s23] =	ssyncadd.s32 $0xFFFFC000  }
.LBB2_1:
0x3a: {  	[dreg:$0xa] =	wrdreg s13  }
0x3b: {  	s11 =	rddreg [dreg:$0x4];
	s16 =	simm.s32 $0xD  }
0x3c: {  	[tilespmem:s3], [sflag:$0xD] =	stream.linear.gather [hbm4b:s11+s3], $0x400, $0x38;
	[tilespmem:$0x18400] =	vst v63  }
0x3d: {  	_ =	swait.ge [sflag:s16], $0x400  }
0x3e: {  	[sflag:s16] =	ssyncset.done $0x0  }
0x3f: {  	[sflag:s16] =	ssyncadd.s32 $0xFFFFFC00  }
0x40: {  	v2 =	vld.msk [tilespmem:$0x0], $0xff;
	_ =	sdelay $0x4  }
0x41: {  	v3 =	vshll.u32 v2, $0x4  }
0x42: {  	v2 =	vand.u32 $0x7, v2;
	v3 =	vand.u32 $0xFFFFFF80, v3  }
0x43: {  	v2 =	vor.u32 v2, v3  }
0x44: {  	v2 =	vperm.xlane v2, v0;
	_ =	sdelay $0x1  }
0x45: {  	v2 =	vadd.s32 v1, v2;
	_ =	sdelay $0x4  }
0x46: {  	[tilespmem:s20], [sflag:$0x1] =	stream.indirect_vreg.gather [hbm4b:s2+s3], $0x80, v2, vm0, $0xb8;
	[tilespmem:$0x18400] =	vst v63  }
0x47: {  	s26 =	simm.s32 $0xC00  }
0x48: {  	[tilespmem:s26], [sflag:$0x1] =	stream.indirect_vreg.gather [hbm4b:s5+s3], $0x80, v2, vm0, $0xb8;
	[tilespmem:$0x18400] =	vst v63  }
0x49: {  	s13 =	simm.s32 $0x1400  }
0x4a: {  	[tilespmem:s13], [sflag:$0x1] =	stream.indirect_vreg.gather [hbm4b:s6+s3], $0x80, v2, vm0, $0xb8;
	[tilespmem:$0x18400] =	vst v63  }
0x4b: {  	s16 =	simm.s32 $0x1C00  }
0x4c: {  	[tilespmem:s16], [sflag:$0x1] =	stream.indirect_vreg.gather [hbm4b:s7+s3], $0x80, v2, vm0, $0xb8;
	[tilespmem:$0x18400] =	vst v63  }
0x4d: {  	s26 =	simm.s32 $0x2400  }
0x4e: {  	[tilespmem:s26], [sflag:$0x1] =	stream.indirect_vreg.gather [hbm4b:s8+s3], $0x80, v2, vm0, $0xb8;
	[tilespmem:$0x18400] =	vst v63  }
0x4f: {  	s13 =	simm.s32 $0x2C00  }
0x50: {  	[tilespmem:s13], [sflag:$0x1] =	stream.indirect_vreg.gather [hbm4b:s9+s3], $0x80, v2, vm0, $0xb8;
	[tilespmem:$0x18400] =	vst v63  }
0x51: {  	s16 =	simm.s32 $0x3400  }
0x52: {  	[tilespmem:s16], [sflag:$0x1] =	stream.indirect_vreg.gather [hbm4b:s10+s3], $0x80, v2, vm0, $0xb8;
	[tilespmem:$0x18400] =	vst v63  }
0x53: {  	s26 =	simm.s32 $0x3C00  }
0x54: {  	[tilespmem:s26], [sflag:$0x1] =	stream.indirect_vreg.gather [hbm4b:s12+s3], $0x80, v2, vm0, $0xb8;
	[tilespmem:$0x18400] =	vst v63  }
0x55: {  	v2 =	vld.msk [tilespmem:$0x8], $0xff;
	_ =	sdelay $0x4  }
0x56: {  	v3 =	vshll.u32 v2, $0x4  }
0x57: {  	v2 =	vand.u32 $0x7, v2;
	v3 =	vand.u32 $0xFFFFFF80, v3  }
0x58: {  	v2 =	vor.u32 v2, v3  }
0x59: {  	v2 =	vperm.xlane v2, v0;
	_ =	sdelay $0x1  }
0x5a: {  	v2 =	vadd.s32 v1, v2;
	_ =	sdelay $0x4  }
0x5b: {  	[tilespmem:s29], [sflag:$0x2] =	stream.indirect_vreg.gather [hbm4b:s2+s3], $0x80, v2, vm0, $0xb8;
	[tilespmem:$0x18400] =	vst v63  }
0x5c: {  	s13 =	simm.s32 $0x4C00  }
0x5d: {  	[tilespmem:s13], [sflag:$0x2] =	stream.indirect_vreg.gather [hbm4b:s5+s3], $0x80, v2, vm0, $0xb8;
	[tilespmem:$0x18400] =	vst v63  }
0x5e: {  	s16 =	simm.s32 $0x5400  }
0x5f: {  	[tilespmem:s16], [sflag:$0x2] =	stream.indirect_vreg.gather [hbm4b:s6+s3], $0x80, v2, vm0, $0xb8;
	[tilespmem:$0x18400] =	vst v63  }
0x60: {  	s26 =	simm.s32 $0x5C00  }
0x61: {  	[tilespmem:s26], [sflag:$0x2] =	stream.indirect_vreg.gather [hbm4b:s7+s3], $0x80, v2, vm0, $0xb8;
	[tilespmem:$0x18400] =	vst v63  }
0x62: {  	s13 =	simm.s32 $0x6400  }
0x63: {  	[tilespmem:s13], [sflag:$0x2] =	stream.indirect_vreg.gather [hbm4b:s8+s3], $0x80, v2, vm0, $0xb8;
	[tilespmem:$0x18400] =	vst v63  }
0x64: {  	s16 =	simm.s32 $0x6C00  }
0x65: {  	[tilespmem:s16], [sflag:$0x2] =	stream.indirect_vreg.gather [hbm4b:s9+s3], $0x80, v2, vm0, $0xb8;
	[tilespmem:$0x18400] =	vst v63  }
0x66: {  	s26 =	simm.s32 $0x7400  }
0x67: {  	[tilespmem:s26], [sflag:$0x2] =	stream.indirect_vreg.gather [hbm4b:s10+s3], $0x80, v2, vm0, $0xb8;
	[tilespmem:$0x18400] =	vst v63  }
0x68: {  	s13 =	simm.s32 $0x7C00  }
0x69: {  	[tilespmem:s13], [sflag:$0x2] =	stream.indirect_vreg.gather [hbm4b:s12+s3], $0x80, v2, vm0, $0xb8;
	[tilespmem:$0x18400] =	vst v63  }
0x6a: {  	v2 =	vld.msk [tilespmem:$0x10], $0xff;
	_ =	sdelay $0x4  }
0x6b: {  	v3 =	vshll.u32 v2, $0x4  }
0x6c: {  	v2 =	vand.u32 $0x7, v2;
	v3 =	vand.u32 $0xFFFFFF80, v3  }
0x6d: {  	v2 =	vor.u32 v2, v3  }
0x6e: {  	v2 =	vperm.xlane v2, v0;
	_ =	sdelay $0x1  }
0x6f: {  	v2 =	vadd.s32 v1, v2;
	_ =	sdelay $0x4  }
0x70: {  	[tilespmem:s15], [sflag:$0x3] =	stream.indirect_vreg.gather [hbm4b:s2+s3], $0x80, v2, vm0, $0xb8;
	[tilespmem:$0x18400] =	vst v63  }
0x71: {  	s16 =	simm.s32 $0x8C00  }
0x72: {  	[tilespmem:s16], [sflag:$0x3] =	stream.indirect_vreg.gather [hbm4b:s5+s3], $0x80, v2, vm0, $0xb8;
	[tilespmem:$0x18400] =	vst v63  }
0x73: {  	s26 =	simm.s32 $0x9400  }
0x74: {  	[tilespmem:s26], [sflag:$0x3] =	stream.indirect_vreg.gather [hbm4b:s6+s3], $0x80, v2, vm0, $0xb8;
	[tilespmem:$0x18400] =	vst v63  }
0x75: {  	s13 =	simm.s32 $0x9C00  }
0x76: {  	[tilespmem:s13], [sflag:$0x3] =	stream.indirect_vreg.gather [hbm4b:s7+s3], $0x80, v2, vm0, $0xb8;
	[tilespmem:$0x18400] =	vst v63  }
0x77: {  	s16 =	simm.s32 $0xA400  }
0x78: {  	[tilespmem:s16], [sflag:$0x3] =	stream.indirect_vreg.gather [hbm4b:s8+s3], $0x80, v2, vm0, $0xb8;
	[tilespmem:$0x18400] =	vst v63  }
0x79: {  	s26 =	simm.s32 $0xAC00  }
0x7a: {  	[tilespmem:s26], [sflag:$0x3] =	stream.indirect_vreg.gather [hbm4b:s9+s3], $0x80, v2, vm0, $0xb8;
	[tilespmem:$0x18400] =	vst v63  }
0x7b: {  	s13 =	simm.s32 $0xB400  }
0x7c: {  	[tilespmem:s13], [sflag:$0x3] =	stream.indirect_vreg.gather [hbm4b:s10+s3], $0x80, v2, vm0, $0xb8;
	[tilespmem:$0x18400] =	vst v63  }
0x7d: {  	s16 =	simm.s32 $0xBC00  }
0x7e: {  	[tilespmem:s16], [sflag:$0x3] =	stream.indirect_vreg.gather [hbm4b:s12+s3], $0x80, v2, vm0, $0xb8;
	[tilespmem:$0x18400] =	vst v63  }
0x7f: {  	v2 =	vld.msk [tilespmem:$0x18], $0xff;
	_ =	sdelay $0x4  }
0x80: {  	v3 =	vshll.u32 v2, $0x4  }
0x81: {  	v2 =	vand.u32 $0x7, v2;
	v3 =	vand.u32 $0xFFFFFF80, v3  }
0x82: {  	v2 =	vor.u32 v2, v3  }
0x83: {  	v2 =	vperm.xlane v2, v0;
	_ =	sdelay $0x1  }
0x84: {  	v2 =	vadd.s32 v1, v2;
	_ =	sdelay $0x4  }
0x85: {  	[tilespmem:s19], [sflag:$0x4] =	stream.indirect_vreg.gather [hbm4b:s2+s3], $0x80, v2, vm0, $0xb8;
	[tilespmem:$0x18400] =	vst v63  }
0x86: {  	s26 =	simm.s32 $0xCC00  }
0x87: {  	[tilespmem:s26], [sflag:$0x4] =	stream.indirect_vreg.gather [hbm4b:s5+s3], $0x80, v2, vm0, $0xb8;
	[tilespmem:$0x18400] =	vst v63  }
0x88: {  	s13 =	simm.s32 $0xD400  }
0x89: {  	[tilespmem:s13], [sflag:$0x4] =	stream.indirect_vreg.gather [hbm4b:s6+s3], $0x80, v2, vm0, $0xb8;
	[tilespmem:$0x18400] =	vst v63  }
0x8a: {  	s16 =	simm.s32 $0xDC00  }
0x8b: {  	[tilespmem:s16], [sflag:$0x4] =	stream.indirect_vreg.gather [hbm4b:s7+s3], $0x80, v2, vm0, $0xb8;
	[tilespmem:$0x18400] =	vst v63  }
0x8c: {  	s26 =	simm.s32 $0xE400  }
0x8d: {  	[tilespmem:s26], [sflag:$0x4] =	stream.indirect_vreg.gather [hbm4b:s8+s3], $0x80, v2, vm0, $0xb8;
	[tilespmem:$0x18400] =	vst v63  }
0x8e: {  	s13 =	simm.s32 $0xEC00  }
0x8f: {  	[tilespmem:s13], [sflag:$0x4] =	stream.indirect_vreg.gather [hbm4b:s9+s3], $0x80, v2, vm0, $0xb8;
	[tilespmem:$0x18400] =	vst v63  }
0x90: {  	s16 =	simm.s32 $0xF400  }
0x91: {  	[tilespmem:s16], [sflag:$0x4] =	stream.indirect_vreg.gather [hbm4b:s10+s3], $0x80, v2, vm0, $0xb8;
	[tilespmem:$0x18400] =	vst v63  }
0x92: {  	s26 =	simm.s32 $0xFC00  }
0x93: {  	[tilespmem:s26], [sflag:$0x4] =	stream.indirect_vreg.gather [hbm4b:s12+s3], $0x80, v2, vm0, $0xb8;
	[tilespmem:$0x18400] =	vst v63  }
0x94: {  	s13 =	simm.s32 $0x0;
	s26 =	simm.s32 $0x48  }
.LBB2_2:
0x95: {  	_ =	swait.ge [sflag:s0], $0x4000  }
0x96: {  	[sflag:s0] =	ssyncset.done $0x0;
	s11 =	rddreg [dreg:$0x8]  }
0x97: {  	p0 =	seq.s32 s13, $0x0;
	[sflag:s0] =	ssyncadd.s32 $0xFFFFC000;
	s11 =	sadd.s32 s13, s11  }
0x98: {  	[hbm4b:s11+s3] =	stream.linear.scatter [tilespmem:s20], [sflag:$0x7], $0x4000, $0x38;
	[tilespmem:$0x18400] =	vst v63  }
0x99: {  	s11 =	simm.s32 @!p0 $0xB  }
0x9a: {  	_ =	swait.ge @!p0 [sflag:s11], $0x4000  }
0x9b: {  	[sflag:s11] =	ssyncset.done @!p0 $0x0  }
0x9c: {  	[sflag:s11] =	ssyncadd.s32 @!p0 $0xFFFFC000  }
0x9d: {  	v2 =	vld.msk [tilespmem:s26+$0xFFFFFFD8], $0xff;
	_ =	sdelay $0x4  }
0x9e: {  	v3 =	vshll.u32 v2, $0x4  }
0x9f: {  	v2 =	vand.u32 $0x7, v2;
	v3 =	vand.u32 $0xFFFFFF80, v3  }
0xa0: {  	v2 =	vor.u32 v2, v3  }
0xa1: {  	v2 =	vperm.xlane v2, v0;
	_ =	sdelay $0x1  }
0xa2: {  	v2 =	vadd.s32 v1, v2;
	_ =	sdelay $0x4  }
0xa3: {  	[tilespmem:s25], [sflag:$0x5] =	stream.indirect_vreg.gather [hbm4b:s2+s3], $0x80, v2, vm0, $0xb8;
	[tilespmem:$0x18400] =	vst v63  }
0xa4: {  	s16 =	simm.s32 $0x10C00  }
0xa5: {  	[tilespmem:s16], [sflag:$0x5] =	stream.indirect_vreg.gather [hbm4b:s5+s3], $0x80, v2, vm0, $0xb8;
	[tilespmem:$0x18400] =	vst v63  }
0xa6: {  	s16 =	simm.s32 $0x11400  }
0xa7: {  	[tilespmem:s16], [sflag:$0x5] =	stream.indirect_vreg.gather [hbm4b:s6+s3], $0x80, v2, vm0, $0xb8;
	[tilespmem:$0x18400] =	vst v63  }
0xa8: {  	s16 =	simm.s32 $0x11C00  }
0xa9: {  	[tilespmem:s16], [sflag:$0x5] =	stream.indirect_vreg.gather [hbm4b:s7+s3], $0x80, v2, vm0, $0xb8;
	[tilespmem:$0x18400] =	vst v63  }
0xaa: {  	s16 =	simm.s32 $0x12400  }
0xab: {  	[tilespmem:s16], [sflag:$0x5] =	stream.indirect_vreg.gather [hbm4b:s8+s3], $0x80, v2, vm0, $0xb8;
	[tilespmem:$0x18400] =	vst v63  }
0xac: {  	s16 =	simm.s32 $0x12C00  }
0xad: {  	[tilespmem:s16], [sflag:$0x5] =	stream.indirect_vreg.gather [hbm4b:s9+s3], $0x80, v2, vm0, $0xb8;
	[tilespmem:$0x18400] =	vst v63  }
0xae: {  	s16 =	simm.s32 $0x13400  }
0xaf: {  	[tilespmem:s16], [sflag:$0x5] =	stream.indirect_vreg.gather [hbm4b:s10+s3], $0x80, v2, vm0, $0xb8;
	[tilespmem:$0x18400] =	vst v63  }
0xb0: {  	s16 =	simm.s32 $0x13C00  }
0xb1: {  	[tilespmem:s16], [sflag:$0x5] =	stream.indirect_vreg.gather [hbm4b:s12+s3], $0x80, v2, vm0, $0xb8;
	[tilespmem:$0x18400] =	vst v63  }
0xb2: {  	_ =	swait.ge [sflag:s22], $0x4000  }
0xb3: {  	s11 =	sadd.s32 s13, s17;
	[sflag:s22] =	ssyncset.done $0x0  }
0xb4: {  	s16 =	sadd.s32 $0x800, s11;
	[sflag:s22] =	ssyncadd.s32 $0xFFFFC000  }
0xb5: {  	[hbm4b:s16+s3] =	stream.linear.scatter [tilespmem:s29], [sflag:$0x8], $0x4000, $0x38;
	[tilespmem:$0x18400] =	vst v63  }
0xb6: {  	s16 =	simm.s32 @!p0 $0xC  }
0xb7: {  	_ =	swait.ge @!p0 [sflag:s16], $0x4000  }
0xb8: {  	[sflag:s16] =	ssyncset.done @!p0 $0x0  }
0xb9: {  	[sflag:s16] =	ssyncadd.s32 @!p0 $0xFFFFC000  }
0xba: {  	v2 =	vld.msk [tilespmem:s26+$0xFFFFFFE0], $0xff;
	_ =	sdelay $0x4  }
0xbb: {  	v3 =	vshll.u32 v2, $0x4  }
0xbc: {  	v2 =	vand.u32 $0x7, v2;
	v3 =	vand.u32 $0xFFFFFF80, v3  }
0xbd: {  	v2 =	vor.u32 v2, v3  }
0xbe: {  	v2 =	vperm.xlane v2, v0;
	_ =	sdelay $0x1  }
0xbf: {  	v2 =	vadd.s32 v1, v2;
	_ =	sdelay $0x4  }
0xc0: {  	[tilespmem:s30], [sflag:$0x6] =	stream.indirect_vreg.gather [hbm4b:s2+s3], $0x80, v2, vm0, $0xb8;
	[tilespmem:$0x18400] =	vst v63  }
0xc1: {  	s16 =	simm.s32 $0x14C00  }
0xc2: {  	[tilespmem:s16], [sflag:$0x6] =	stream.indirect_vreg.gather [hbm4b:s5+s3], $0x80, v2, vm0, $0xb8;
	[tilespmem:$0x18400] =	vst v63  }
0xc3: {  	s16 =	simm.s32 $0x15400  }
0xc4: {  	[tilespmem:s16], [sflag:$0x6] =	stream.indirect_vreg.gather [hbm4b:s6+s3], $0x80, v2, vm0, $0xb8;
	[tilespmem:$0x18400] =	vst v63  }
0xc5: {  	s16 =	simm.s32 $0x15C00  }
0xc6: {  	[tilespmem:s16], [sflag:$0x6] =	stream.indirect_vreg.gather [hbm4b:s7+s3], $0x80, v2, vm0, $0xb8;
	[tilespmem:$0x18400] =	vst v63  }
0xc7: {  	s16 =	simm.s32 $0x16400  }
0xc8: {  	[tilespmem:s16], [sflag:$0x6] =	stream.indirect_vreg.gather [hbm4b:s8+s3], $0x80, v2, vm0, $0xb8;
	[tilespmem:$0x18400] =	vst v63  }
0xc9: {  	s16 =	simm.s32 $0x16C00  }
0xca: {  	[tilespmem:s16], [sflag:$0x6] =	stream.indirect_vreg.gather [hbm4b:s9+s3], $0x80, v2, vm0, $0xb8;
	[tilespmem:$0x18400] =	vst v63  }
0xcb: {  	s16 =	simm.s32 $0x17400  }
0xcc: {  	[tilespmem:s16], [sflag:$0x6] =	stream.indirect_vreg.gather [hbm4b:s10+s3], $0x80, v2, vm0, $0xb8;
	[tilespmem:$0x18400] =	vst v63  }
0xcd: {  	s16 =	simm.s32 $0x17C00  }
0xce: {  	[tilespmem:s16], [sflag:$0x6] =	stream.indirect_vreg.gather [hbm4b:s12+s3], $0x80, v2, vm0, $0xb8;
	[tilespmem:$0x18400] =	vst v63  }
0xcf: {  	_ =	swait.ge [sflag:s14], $0x4000  }
0xd0: {  	[sflag:s14] =	ssyncset.done $0x0;
	s16 =	rddreg [dreg:$0x9]  }
0xd1: {  	[sflag:s14] =	ssyncadd.s32 $0xFFFFC000;
	s16 =	sadd.s32 s13, s16  }
0xd2: {  	[hbm4b:s16+s3] =	stream.linear.scatter [tilespmem:s15], [sflag:$0x9], $0x4000, $0x38;
	[tilespmem:$0x18400] =	vst v63  }
0xd3: {  	_ =	swait.ge [sflag:s28], $0x4000  }
0xd4: {  	[sflag:s28] =	ssyncset.done $0x0  }
0xd5: {  	[sflag:s28] =	ssyncadd.s32 $0xFFFFC000  }
0xd6: {  	v2 =	vld.msk [tilespmem:s26+$0xFFFFFFE8], $0xff;
	_ =	sdelay $0x4  }
0xd7: {  	v3 =	vshll.u32 v2, $0x4  }
0xd8: {  	v2 =	vand.u32 $0x7, v2;
	v3 =	vand.u32 $0xFFFFFF80, v3  }
0xd9: {  	v2 =	vor.u32 v2, v3  }
0xda: {  	v2 =	vperm.xlane v2, v0;
	_ =	sdelay $0x1  }
0xdb: {  	v2 =	vadd.s32 v1, v2;
	_ =	sdelay $0x4  }
0xdc: {  	[tilespmem:s20], [sflag:$0x1] =	stream.indirect_vreg.gather [hbm4b:s2+s3], $0x80, v2, vm0, $0xb8;
	[tilespmem:$0x18400] =	vst v63  }
0xdd: {  	s16 =	simm.s32 $0xC00  }
0xde: {  	[tilespmem:s16], [sflag:$0x1] =	stream.indirect_vreg.gather [hbm4b:s5+s3], $0x80, v2, vm0, $0xb8;
	[tilespmem:$0x18400] =	vst v63  }
0xdf: {  	s16 =	simm.s32 $0x1400  }
0xe0: {  	[tilespmem:s16], [sflag:$0x1] =	stream.indirect_vreg.gather [hbm4b:s6+s3], $0x80, v2, vm0, $0xb8;
	[tilespmem:$0x18400] =	vst v63  }
0xe1: {  	s16 =	simm.s32 $0x1C00  }
0xe2: {  	[tilespmem:s16], [sflag:$0x1] =	stream.indirect_vreg.gather [hbm4b:s7+s3], $0x80, v2, vm0, $0xb8;
	[tilespmem:$0x18400] =	vst v63  }
0xe3: {  	s16 =	simm.s32 $0x2400  }
0xe4: {  	[tilespmem:s16], [sflag:$0x1] =	stream.indirect_vreg.gather [hbm4b:s8+s3], $0x80, v2, vm0, $0xb8;
	[tilespmem:$0x18400] =	vst v63  }
0xe5: {  	s16 =	simm.s32 $0x2C00  }
0xe6: {  	[tilespmem:s16], [sflag:$0x1] =	stream.indirect_vreg.gather [hbm4b:s9+s3], $0x80, v2, vm0, $0xb8;
	[tilespmem:$0x18400] =	vst v63  }
0xe7: {  	s16 =	simm.s32 $0x3400  }
0xe8: {  	[tilespmem:s16], [sflag:$0x1] =	stream.indirect_vreg.gather [hbm4b:s10+s3], $0x80, v2, vm0, $0xb8;
	[tilespmem:$0x18400] =	vst v63  }
0xe9: {  	s16 =	simm.s32 $0x3C00  }
0xea: {  	[tilespmem:s16], [sflag:$0x1] =	stream.indirect_vreg.gather [hbm4b:s12+s3], $0x80, v2, vm0, $0xb8;
	[tilespmem:$0x18400] =	vst v63  }
0xeb: {  	_ =	swait.ge [sflag:s21], $0x4000  }
0xec: {  	[sflag:s21] =	ssyncset.done $0x0  }
0xed: {  	s16 =	sadd.s32 $0x1800, s11;
	[sflag:s21] =	ssyncadd.s32 $0xFFFFC000  }
0xee: {  	[hbm4b:s16+s3] =	stream.linear.scatter [tilespmem:s19], [sflag:$0xA], $0x4000, $0x38;
	[tilespmem:$0x18400] =	vst v63  }
0xef: {  	_ =	swait.ge [sflag:s23], $0x4000  }
0xf0: {  	[sflag:s23] =	ssyncset.done $0x0  }
0xf1: {  	[sflag:s23] =	ssyncadd.s32 $0xFFFFC000  }
0xf2: {  	v2 =	vld.msk [tilespmem:s26+$0xFFFFFFF0], $0xff;
	_ =	sdelay $0x4  }
0xf3: {  	v3 =	vshll.u32 v2, $0x4  }
0xf4: {  	v2 =	vand.u32 $0x7, v2;
	v3 =	vand.u32 $0xFFFFFF80, v3  }
0xf5: {  	v2 =	vor.u32 v2, v3  }
0xf6: {  	v2 =	vperm.xlane v2, v0;
	_ =	sdelay $0x1  }
0xf7: {  	v2 =	vadd.s32 v1, v2;
	_ =	sdelay $0x4  }
0xf8: {  	[tilespmem:s29], [sflag:$0x2] =	stream.indirect_vreg.gather [hbm4b:s2+s3], $0x80, v2, vm0, $0xb8;
	[tilespmem:$0x18400] =	vst v63  }
0xf9: {  	s16 =	simm.s32 $0x4C00  }
0xfa: {  	[tilespmem:s16], [sflag:$0x2] =	stream.indirect_vreg.gather [hbm4b:s5+s3], $0x80, v2, vm0, $0xb8;
	[tilespmem:$0x18400] =	vst v63  }
0xfb: {  	s16 =	simm.s32 $0x5400  }
0xfc: {  	[tilespmem:s16], [sflag:$0x2] =	stream.indirect_vreg.gather [hbm4b:s6+s3], $0x80, v2, vm0, $0xb8;
	[tilespmem:$0x18400] =	vst v63  }
0xfd: {  	s16 =	simm.s32 $0x5C00  }
0xfe: {  	[tilespmem:s16], [sflag:$0x2] =	stream.indirect_vreg.gather [hbm4b:s7+s3], $0x80, v2, vm0, $0xb8;
	[tilespmem:$0x18400] =	vst v63  }
0xff: {  	s16 =	simm.s32 $0x6400  }
0x100: {  	[tilespmem:s16], [sflag:$0x2] =	stream.indirect_vreg.gather [hbm4b:s8+s3], $0x80, v2, vm0, $0xb8;
	[tilespmem:$0x18400] =	vst v63  }
0x101: {  	s16 =	simm.s32 $0x6C00  }
0x102: {  	[tilespmem:s16], [sflag:$0x2] =	stream.indirect_vreg.gather [hbm4b:s9+s3], $0x80, v2, vm0, $0xb8;
	[tilespmem:$0x18400] =	vst v63  }
0x103: {  	s16 =	simm.s32 $0x7400  }
0x104: {  	[tilespmem:s16], [sflag:$0x2] =	stream.indirect_vreg.gather [hbm4b:s10+s3], $0x80, v2, vm0, $0xb8;
	[tilespmem:$0x18400] =	vst v63  }
0x105: {  	p0 =	seq.s32 s13, $0x3C000;
	s16 =	simm.s32 $0x7C00  }
0x106: {  	[tilespmem:s16], [sflag:$0x2] =	stream.indirect_vreg.gather [hbm4b:s12+s3], $0x80, v2, vm0, $0xb8;
	[tilespmem:$0x18400] =	vst v63  }
.Ltmp2:
0x107: {  	_ = 	snop;
	(pc) =	sbr.rel @p0 .LBB2_4-.Ltmp2, $4  }
0x108: {  	_ =	swait.ge [sflag:s31], $0x4000  }
0x109: {  	[sflag:s31] =	ssyncset.done $0x0  }
0x10a: {  	s11 =	sadd.s32 $0x2800, s11;
	s16 =	sadd.s32 s13, s18;
	[sflag:s31] =	ssyncadd.s32 $0xFFFFC000  }
0x10b: {  	[hbm4b:s16+s3] =	stream.linear.scatter [tilespmem:s25], [sflag:$0xB], $0x4000, $0x38;
	[tilespmem:$0x18400] =	vst v63  }
0x10c: {  	_ =	swait.ge [sflag:s1], $0x4000  }
0x10d: {  	[sflag:s1] =	ssyncset.done $0x0  }
0x10e: {  	[sflag:s1] =	ssyncadd.s32 $0xFFFFC000  }
0x10f: {  	v2 =	vld.msk [tilespmem:s26+$0xFFFFFFF8], $0xff;
	_ =	sdelay $0x4  }
0x110: {  	v3 =	vshll.u32 v2, $0x4  }
0x111: {  	v2 =	vand.u32 $0x7, v2;
	v3 =	vand.u32 $0xFFFFFF80, v3  }
0x112: {  	v2 =	vor.u32 v2, v3  }
0x113: {  	v2 =	vperm.xlane v2, v0;
	_ =	sdelay $0x1  }
0x114: {  	v2 =	vadd.s32 v1, v2;
	_ =	sdelay $0x4  }
0x115: {  	[tilespmem:s15], [sflag:$0x3] =	stream.indirect_vreg.gather [hbm4b:s2+s3], $0x80, v2, vm0, $0xb8;
	[tilespmem:$0x18400] =	vst v63  }
0x116: {  	s16 =	simm.s32 $0x8C00  }
0x117: {  	[tilespmem:s16], [sflag:$0x3] =	stream.indirect_vreg.gather [hbm4b:s5+s3], $0x80, v2, vm0, $0xb8;
	[tilespmem:$0x18400] =	vst v63  }
0x118: {  	s16 =	simm.s32 $0x9400  }
0x119: {  	[tilespmem:s16], [sflag:$0x3] =	stream.indirect_vreg.gather [hbm4b:s6+s3], $0x80, v2, vm0, $0xb8;
	[tilespmem:$0x18400] =	vst v63  }
0x11a: {  	s16 =	simm.s32 $0x9C00  }
0x11b: {  	[tilespmem:s16], [sflag:$0x3] =	stream.indirect_vreg.gather [hbm4b:s7+s3], $0x80, v2, vm0, $0xb8;
	[tilespmem:$0x18400] =	vst v63  }
0x11c: {  	s16 =	simm.s32 $0xA400  }
0x11d: {  	[tilespmem:s16], [sflag:$0x3] =	stream.indirect_vreg.gather [hbm4b:s8+s3], $0x80, v2, vm0, $0xb8;
	[tilespmem:$0x18400] =	vst v63  }
0x11e: {  	s16 =	simm.s32 $0xAC00  }
0x11f: {  	[tilespmem:s16], [sflag:$0x3] =	stream.indirect_vreg.gather [hbm4b:s9+s3], $0x80, v2, vm0, $0xb8;
	[tilespmem:$0x18400] =	vst v63  }
0x120: {  	s16 =	simm.s32 $0xB400  }
0x121: {  	[tilespmem:s16], [sflag:$0x3] =	stream.indirect_vreg.gather [hbm4b:s10+s3], $0x80, v2, vm0, $0xb8;
	[tilespmem:$0x18400] =	vst v63  }
0x122: {  	s16 =	simm.s32 $0xBC00  }
0x123: {  	[tilespmem:s16], [sflag:$0x3] =	stream.indirect_vreg.gather [hbm4b:s12+s3], $0x80, v2, vm0, $0xb8;
	[tilespmem:$0x18400] =	vst v63  }
0x124: {  	_ =	swait.ge [sflag:s24], $0x4000  }
0x125: {  	[sflag:s24] =	ssyncset.done $0x0  }
0x126: {  	[sflag:s24] =	ssyncadd.s32 $0xFFFFC000  }
0x127: {  	[hbm4b:s11+s3] =	stream.linear.scatter [tilespmem:s30], [sflag:$0xC], $0x4000, $0x38;
	[tilespmem:$0x18400] =	vst v63  }
0x128: {  	_ =	swait.ge [sflag:s4], $0x4000  }
0x129: {  	[sflag:s4] =	ssyncset.done $0x0  }
0x12a: {  	[sflag:s4] =	ssyncadd.s32 $0xFFFFC000  }
0x12b: {  	v2 =	vld.msk [tilespmem:s26+$0x0], $0xff;
	_ =	sdelay $0x4  }
0x12c: {  	v3 =	vshll.u32 v2, $0x4  }
0x12d: {  	v2 =	vand.u32 $0x7, v2;
	v3 =	vand.u32 $0xFFFFFF80, v3  }
0x12e: {  	v2 =	vor.u32 v2, v3  }
0x12f: {  	v2 =	vperm.xlane v2, v0;
	_ =	sdelay $0x1  }
0x130: {  	v2 =	vadd.s32 v1, v2;
	_ =	sdelay $0x4  }
0x131: {  	[tilespmem:s19], [sflag:$0x4] =	stream.indirect_vreg.gather [hbm4b:s2+s3], $0x80, v2, vm0, $0xb8;
	[tilespmem:$0x18400] =	vst v63  }
0x132: {  	s16 =	simm.s32 $0xCC00  }
0x133: {  	[tilespmem:s16], [sflag:$0x4] =	stream.indirect_vreg.gather [hbm4b:s5+s3], $0x80, v2, vm0, $0xb8;
	[tilespmem:$0x18400] =	vst v63  }
0x134: {  	s16 =	simm.s32 $0xD400  }
0x135: {  	[tilespmem:s16], [sflag:$0x4] =	stream.indirect_vreg.gather [hbm4b:s6+s3], $0x80, v2, vm0, $0xb8;
	[tilespmem:$0x18400] =	vst v63  }
0x136: {  	s16 =	simm.s32 $0xDC00  }
0x137: {  	[tilespmem:s16], [sflag:$0x4] =	stream.indirect_vreg.gather [hbm4b:s7+s3], $0x80, v2, vm0, $0xb8;
	[tilespmem:$0x18400] =	vst v63  }
0x138: {  	s16 =	simm.s32 $0xE400  }
0x139: {  	[tilespmem:s16], [sflag:$0x4] =	stream.indirect_vreg.gather [hbm4b:s8+s3], $0x80, v2, vm0, $0xb8;
	[tilespmem:$0x18400] =	vst v63  }
0x13a: {  	s16 =	simm.s32 $0xEC00  }
0x13b: {  	[tilespmem:s16], [sflag:$0x4] =	stream.indirect_vreg.gather [hbm4b:s9+s3], $0x80, v2, vm0, $0xb8;
	[tilespmem:$0x18400] =	vst v63  }
.Ltmp3:
0x13c: {  	_ = 	snop;
	(pc) =	sbr.rel .LBB2_2-.Ltmp3, $4  }
0x13d: {  	s16 =	simm.s32 $0xF400  }
0x13e: {  	[tilespmem:s16], [sflag:$0x4] =	stream.indirect_vreg.gather [hbm4b:s10+s3], $0x80, v2, vm0, $0xb8;
	[tilespmem:$0x18400] =	vst v63  }
0x13f: {  	s13 =	sadd.s32 $0x3000, s13;
	s26 =	sadd.s32 $0x30, s26;
	s16 =	simm.s32 $0xFC00  }
0x140: {  	[tilespmem:s16], [sflag:$0x4] =	stream.indirect_vreg.gather [hbm4b:s12+s3], $0x80, v2, vm0, $0xb8;
	[tilespmem:$0x18400] =	vst v63  }
.LBB2_5:
0x141: {  	_ =	sfence.sel $0x180000  }
0x142: {  	[bflag:$0x0] =	sbarrier.arrive $0xFFFF  }
0x143: {  	_ =	strace $0x90000047  }
0x144: {  	s0 =	stileid.u32;
	[bflag:$0x2] =	sbarrier.arrive $0xFFFF  }
0x145: {  	p0 =	sne.s32 s0, $0x0;
	s0 =	rddreg [dreg:$0x3]  }
0x146: {  	s0 =	sadd.s32 @!p0 $0x100000, s0  }
0x147: {  	[sflag:s0] =	ssyncadd.tile.s32 @!p0 $0x1;
	_ =	shalt  }
.Lfunc_end2:
_tile_overlayer_lowered:
.L_overlay_start_2:
0x148: {  	(tag) =	ssettag $0x2  }
0x149: {  	s0 =	rddreg [dreg:$0x0];
	s2 =	stileid.u32  }
0x14a: {  	s1 =	rddreg [dreg:$0x1];
	p0 =	sne.s32 s2, $0x0  }
0x14b: {  	s3 =	rddreg [dreg:$0x2];
	[bflag:$0x3] =	sbarrier.arrive $0xFFFF;
	s2 =	simm.s32 @!p0 $0x1C0D  }
0x14c: {  	[timem:s3], [sflag:s2] =	dma.local @!p0 [hbm:s0], s1  }
0x14d: {  	s0 =	simm.s32 @!p0 $0xD  }
0x14e: {  	_ =	swait.ge @!p0 [sflag:s0], s1  }
0x14f: {  	s1 =	ssub.s32 @!p0 $0x0, s1;
	[sflag:s0] =	ssyncset.done @!p0 $0x0  }
0x150: {  	[sflag:s0] =	ssyncadd.s32 @!p0 s1  }
0x151: {  	[bflag:$0x3] =	sbarrier.arrive $0xFFFF  }
0x152: {  	_ =	shalt  }

</sc_bundles>
